<compile_context>
chip_gen: v7x
topology: tpu7x:2x2x1
jax: 0.10.2.dev20260603
libtpu: 0.0.44.dev20260713+nightly
codegen_flags: <defaults>
</compile_context>

<pallas_src>
import functools

import jax
import jax.numpy as jnp
from jax import lax
from jax.experimental import pallas as pl
from jax.experimental.pallas import tpu as pltpu
from jax.experimental.pallas import tpu_sc as plsc

_N = 10000
_E = 320000
_H = 8
_D = 16
_NEG_SLOPE = 0.2
_HD = _H * _D
_W = 136

_NC = 2
_NS = 16
_NW = _NC * _NS
_EPT = _E // _NW
_C = 80
_ITERS = _EPT // _C
_RPT8 = 624
_TAIL = _N - _NS * _RPT8


def _prep_body(hs_ref, attn_ref, gsel_ref, gselt_ref, out_ref):
    hs = hs_ref[...]
    attn = attn_ref[...]
    gsel = gsel_ref[...]
    gselt = gselt_ref[...]
    el = jnp.dot(hs * attn, gsel, precision=lax.Precision.HIGHEST)
    el = jnp.where(el > 0, el, _NEG_SLOPE * el)
    m = jnp.max(el)
    q = jnp.exp(el - m)
    qb = jnp.dot(q, gselt, precision=lax.Precision.HIGHEST)
    w = hs * qb
    out_ref[...] = jnp.concatenate([w, q], axis=1)


def _prep(h_src, attn_flat, gsel, gselt):
    return pl.pallas_call(
        _prep_body,
        out_shape=jax.ShapeDtypeStruct((_N, _W), jnp.float32),
    )(h_src, attn_flat, gsel, gselt)


def _edge_body(w_hbm, ei_hbm, out_hbm,
               sidx0, sidx1, sidx2, didx0, didx1, didx2,
               rows0, rows1, rows2, acc,
               gsem0, gsem1, gsem2, samA0, samA1, samA2,
               samB0, samB1, samB2):
    c = lax.axis_index("c")
    s = lax.axis_index("s")
    wid = s * _NC + c
    sbase = wid * _ITERS
    dbase = _E // _C + wid * _ITERS

    sidx = (sidx0, sidx1, sidx2)
    didx = (didx0, didx1, didx2)
    rows = (rows0, rows1, rows2)
    gsem = (gsem0, gsem1, gsem2)
    samA = (samA0, samA1, samA2)
    samB = (samB0, samB1, samB2)

    def _sidx_ld(i, b):
        pltpu.async_copy(ei_hbm.at[sbase + i], sidx[b], samA[b])

    def _sidx_wait(b):
        pltpu.make_async_copy(ei_hbm.at[sbase], sidx[b], samA[b]).wait()

    def _didx_ld(i, b):
        pltpu.async_copy(ei_hbm.at[dbase + i], didx[b], samB[b])

    def _didx_wait(b):
        pltpu.make_async_copy(ei_hbm.at[dbase], didx[b], samB[b]).wait()

    def _gather(b):
        pltpu.async_copy(w_hbm.at[sidx[b]], rows[b], gsem[b])

    def _gwait(b):
        pltpu.make_async_copy(w_hbm.at[sidx0], rows[b], gsem[b]).wait()

    for b in range(3):
        _sidx_ld(b, b)
        _didx_ld(b, b)

    @pl.loop(0, _C)
    def _zrow(r):
        for k in range(_HD // 16):
            rows0[r, pl.ds(16 * k, 16)] = jnp.zeros((16,), jnp.float32)
        rows0[r, pl.ds(_W - 16, 16)] = jnp.zeros((16,), jnp.float32)

    @pl.loop(0, 7)
    def _zcp(j):
        zoff = pl.multiple_of(s * _RPT8 + j * _C, 8)
        pltpu.sync_copy(rows0, acc.at[pl.ds(zoff, _C)])

    zoff7 = pl.multiple_of(s * _RPT8 + 7 * _C, 8)
    pltpu.sync_copy(rows0.at[pl.ds(0, _RPT8 - 7 * _C)],
                    acc.at[pl.ds(zoff7, _RPT8 - 7 * _C)])

    @pl.when(s == _NS - 1)
    def _zero_tail():
        pltpu.sync_copy(rows0.at[pl.ds(0, _TAIL)],
                        acc.at[pl.ds(_NS * _RPT8, _TAIL)])

    plsc.subcore_barrier()

    _sidx_wait(0)
    _gather(0)
    _sidx_wait(1)
    _gather(1)

    def _slot(i, b):
        b2 = (b + 2) % 3
        _gwait(b)
        _didx_wait(b)
        pltpu.sync_copy(rows[b], acc.at[didx[b]], add=True)

        @pl.when(i + 3 < _ITERS)
        def _pf():
            _sidx_ld(i + 3, b)
            _didx_ld(i + 3, b)

        @pl.when(i + 2 < _ITERS)
        def _g2():
            _sidx_wait(b2)
            _gather(b2)

    @pl.loop(0, _ITERS - 2, step=3)
    def _round(g):
        _slot(g, 0)
        _slot(g + 1, 1)
        _slot(g + 2, 2)

    _gwait(0)
    _didx_wait(0)
    pltpu.sync_copy(rows0, acc.at[didx0], add=True)
    _gwait(1)
    _didx_wait(1)
    pltpu.sync_copy(rows1, acc.at[didx1], add=True)

    plsc.subcore_barrier()

    doff = pl.multiple_of(s * _RPT8, 8)
    pltpu.sync_copy(acc.at[pl.ds(doff, _RPT8)],
                    out_hbm.at[c, pl.ds(doff, _RPT8)])

    @pl.when(s == _NS - 1)
    def _drain_tail():
        pltpu.sync_copy(acc.at[pl.ds(_NS * _RPT8, _TAIL)],
                        out_hbm.at[c, pl.ds(_NS * _RPT8, _TAIL)])


@functools.partial(
    pl.kernel,
    mesh=plsc.VectorSubcoreMesh(core_axis_name="c", subcore_axis_name="s"),
    out_type=jax.ShapeDtypeStruct((_NC, _N, _W), jnp.float32),
    scratch_types=[
        pltpu.VMEM((_C,), jnp.int32),
        pltpu.VMEM((_C,), jnp.int32),
        pltpu.VMEM((_C,), jnp.int32),
        pltpu.VMEM((_C,), jnp.int32),
        pltpu.VMEM((_C,), jnp.int32),
        pltpu.VMEM((_C,), jnp.int32),
        pltpu.VMEM((_C, _W), jnp.float32),
        pltpu.VMEM((_C, _W), jnp.float32),
        pltpu.VMEM((_C, _W), jnp.float32),
        pltpu.VMEM_SHARED((_N, _W), jnp.float32),
        pltpu.SemaphoreType.DMA,
        pltpu.SemaphoreType.DMA,
        pltpu.SemaphoreType.DMA,
        pltpu.SemaphoreType.DMA,
        pltpu.SemaphoreType.DMA,
        pltpu.SemaphoreType.DMA,
        pltpu.SemaphoreType.DMA,
        pltpu.SemaphoreType.DMA,
        pltpu.SemaphoreType.DMA,
    ],
    compiler_params=pltpu.CompilerParams(use_tc_tiling_on_sc=False),
)
def _edge_pass(w_hbm, ei_hbm, out_hbm,
               sidx0, sidx1, sidx2, didx0, didx1, didx2,
               rows0, rows1, rows2, acc,
               gsem0, gsem1, gsem2, samA0, samA1, samA2,
               samB0, samB1, samB2):
    _edge_body(w_hbm, ei_hbm, out_hbm,
               sidx0, sidx1, sidx2, didx0, didx1, didx2,
               rows0, rows1, rows2, acc,
               gsem0, gsem1, gsem2, samA0, samA1, samA2,
               samB0, samB1, samB2)


def _final_body(acc_ref, gselt_ref, out_ref):
    tot = acc_ref[0] + acc_ref[1]
    num = tot[:, 0:_HD]
    den = tot[:, _HD:_HD + _H]
    denb = jnp.dot(den, gselt_ref[...], precision=lax.Precision.HIGHEST)
    out_ref[...] = jnp.where(denb > 0, num / denb, 0.0)


def _final(acc, gselt):
    return pl.pallas_call(
        _final_body,
        out_shape=jax.ShapeDtypeStruct((_N, _HD), jnp.float32),
    )(acc, gselt)


def kernel(h_src, h_dst, attn_l, edge_index):
    del h_dst
    attn_flat = attn_l.reshape(1, _HD).astype(jnp.float32)
    gsel = (jnp.arange(_HD)[:, None] // _D == jnp.arange(_H)[None, :]
            ).astype(jnp.float32)
    gselt = gsel.T
    w = _prep(h_src, attn_flat, gsel, gselt)
    ei = edge_index.reshape(2 * _E // _C, _C)
    acc = _edge_pass(w, ei)
    return _final(acc, gselt)

# --- scband reference (transcript-rebuilt; emitter-appended) ---
"""Pipeline reference for scband-het-gcnlayer-37254546325572 (READ-ONLY COPY).

The authoritative reference and input builder live on the scoring server;
editing this copy changes nothing except your own understanding.
"""

import jax, jax.numpy as jnp
import numpy as np

N = 10000
E = 320000
H = 8
D = 16
NEG_SLOPE = 0.2


def setup_inputs(seed: int = 0) -> dict:
    key = jax.random.key(seed)
    k1, k2, k3, k4 = jax.random.split(key, 4)
    h_src = jax.random.normal(k1, (N, H * D), dtype=jnp.float32)
    h_dst = jax.random.normal(k2, (N, H * D), dtype=jnp.float32)
    # xavier_normal_(gain=1.414) on shape (1, H, D): std = 1.414*sqrt(2/(fan_in+fan_out))
    std = 1.414 * np.sqrt(2.0 / (H + D))
    attn_l = jax.random.normal(k3, (1, H, D), dtype=jnp.float32) * std
    edge_index = jax.random.randint(k4, (2, E), 0, N, dtype=jnp.int32)
    return {"h_src": h_src, "h_dst": h_dst, "attn_l": attn_l, "edge_index": edge_index}


def reference(h_src, h_dst, attn_l, edge_index):
    # HetGCNLayer forward, aggregator_type='attention', feat_drop=attn_drop=0,
    # residual=False, activation=None
    n = h_src.shape[0]
    hs = h_src.reshape(-1, H, D)          # [N, H, D]
    _ = h_dst.reshape(-1, H, D)           # h_dst only used for residual (off)
    el = (hs * attn_l).sum(axis=-1)       # [N, H]
    src = edge_index[0]
    dst = edge_index[1]
    e = el[src]                            # copy_u: [E, H]
    e = jnp.where(e > 0, e, NEG_SLOPE * e)  # leaky_relu
    # edge_softmax over incoming edges of each dst node
    emax = jax.ops.segment_max(e, dst, num_segments=n)   # [N, H]
    ee = jnp.exp(e - emax[dst])                          # [E, H]
    denom = jax.ops.segment_sum(ee, dst, num_segments=n)  # [N, H]
    a = ee / denom[dst]                                   # [E, H]
    m = hs[src] * a[:, :, None]                           # u_mul_e: [E, H, D]
    out = jax.ops.segment_sum(m, dst, num_segments=n)     # sum reduce: [N, H, D]
    rst = out.reshape(n, H * D)                           # flatten(1)
    return rst

if __name__ == "__main__":
    import jax
    _d = setup_inputs()
    print(jax.jit(kernel)(*tuple(_d.values())))

</pallas_src>

<mosaic_0001>
#map = affine_map<(d0, d1) -> (0, 0)>
#map1 = affine_map<(d0, d1) -> (0, 0, 0)>
module attributes {stable_mosaic.version = 14 : i64} {
  func.func @_edge_pass(%arg0: i32, %arg1: i32, %arg2: memref<10000x136xf32, #tpu.memory_space<hbm>>, %arg3: memref<8000x80xi32, #tpu.memory_space<hbm>>, %arg4: memref<2x10000x136xf32, #tpu.memory_space<hbm>>, %arg5: memref<80xi32, #tpu.memory_space<vmem>>, %arg6: memref<80xi32, #tpu.memory_space<vmem>>, %arg7: memref<80xi32, #tpu.memory_space<vmem>>, %arg8: memref<80xi32, #tpu.memory_space<vmem>>, %arg9: memref<80xi32, #tpu.memory_space<vmem>>, %arg10: memref<80xi32, #tpu.memory_space<vmem>>, %arg11: memref<80x136xf32, #tpu.memory_space<vmem>>, %arg12: memref<80x136xf32, #tpu.memory_space<vmem>>, %arg13: memref<80x136xf32, #tpu.memory_space<vmem>>, %arg14: memref<10000x136xf32, #tpu.memory_space<vmem_shared>>, %arg15: memref<!tpu.dma_semaphore, #tpu.memory_space<semaphore_mem>>, %arg16: memref<!tpu.dma_semaphore, #tpu.memory_space<semaphore_mem>>, %arg17: memref<!tpu.dma_semaphore, #tpu.memory_space<semaphore_mem>>, %arg18: memref<!tpu.dma_semaphore, #tpu.memory_space<semaphore_mem>>, %arg19: memref<!tpu.dma_semaphore, #tpu.memory_space<semaphore_mem>>, %arg20: memref<!tpu.dma_semaphore, #tpu.memory_space<semaphore_mem>>, %arg21: memref<!tpu.dma_semaphore, #tpu.memory_space<semaphore_mem>>, %arg22: memref<!tpu.dma_semaphore, #tpu.memory_space<semaphore_mem>>, %arg23: memref<!tpu.dma_semaphore, #tpu.memory_space<semaphore_mem>>) attributes {dimension_semantics = [#tpu.dimension_semantics<core_parallel>, #tpu.dimension_semantics<subcore_parallel>], iteration_bounds = array<i64: 2, 16>, scalar_prefetch = 0 : i64, scratch_operands = 19 : i64, tpu.core_type = #tpu.core_type<sc_vector_subcore>, window_params = [{transform_indices = #map}, {transform_indices = #map}, {transform_indices = #map1}]} {
    %mul3A = arith.constant 2 : i32
    %mul3A_0 = arith.muli %arg1, %mul3A : i32
    %add3A = arith.addi %mul3A_0, %arg0 : i32
    %mul3A_1 = arith.constant 125 : i32
    %mul3A_2 = arith.muli %add3A, %mul3A_1 : i32
    %mul3A_3 = arith.constant 125 : i32
    %mul3A_4 = arith.muli %add3A, %mul3A_3 : i32
    %add3A_5 = arith.constant 4000 : i32
    %add3A_6 = arith.addi %add3A_5, %mul3A_4 : i32
    %add3A_7 = arith.constant 0 : i32
    %add3A_8 = arith.addi %mul3A_2, %add3A_7 : i32
    %dma_start3A = arith.constant 0 : i32
    %dma_start3A_9 = tpu.memref_slice %arg3[%add3A_8, %dma_start3A] : memref<8000x80xi32, #tpu.memory_space<hbm>> -> memref<1x80xi32, #tpu.memory_space<hbm>>
    %dma_start3A_10 = tpu.memref_squeeze %dma_start3A_9 : memref<1x80xi32, #tpu.memory_space<hbm>> -> memref<80xi32, #tpu.memory_space<hbm>>
    %dma_start3A_11 = arith.constant 0 : i32
    %dma_start3A_12 = tpu.memref_slice %arg3[%add3A_8, %dma_start3A_11] : memref<8000x80xi32, #tpu.memory_space<hbm>> -> memref<1x80xi32, #tpu.memory_space<hbm>>
    %dma_start3A_13 = tpu.memref_squeeze %dma_start3A_12 : memref<1x80xi32, #tpu.memory_space<hbm>> -> memref<80xi32, #tpu.memory_space<hbm>>
    tpu.enqueue_dma source(%dma_start3A_13 : memref<80xi32, #tpu.memory_space<hbm>>) target(%arg5 : memref<80xi32, #tpu.memory_space<vmem>>) target_semaphore(%arg18 : memref<!tpu.dma_semaphore, #tpu.memory_space<semaphore_mem>>)
    %add3A_14 = arith.constant 0 : i32
    %add3A_15 = arith.addi %add3A_6, %add3A_14 : i32
    %dma_start3A_16 = arith.constant 0 : i32
    %dma_start3A_17 = tpu.memref_slice %arg3[%add3A_15, %dma_start3A_16] : memref<8000x80xi32, #tpu.memory_space<hbm>> -> memref<1x80xi32, #tpu.memory_space<hbm>>
    %dma_start3A_18 = tpu.memref_squeeze %dma_start3A_17 : memref<1x80xi32, #tpu.memory_space<hbm>> -> memref<80xi32, #tpu.memory_space<hbm>>
    %dma_start3A_19 = arith.constant 0 : i32
    %dma_start3A_20 = tpu.memref_slice %arg3[%add3A_15, %dma_start3A_19] : memref<8000x80xi32, #tpu.memory_space<hbm>> -> memref<1x80xi32, #tpu.memory_space<hbm>>
    %dma_start3A_21 = tpu.memref_squeeze %dma_start3A_20 : memref<1x80xi32, #tpu.memory_space<hbm>> -> memref<80xi32, #tpu.memory_space<hbm>>
    tpu.enqueue_dma source(%dma_start3A_21 : memref<80xi32, #tpu.memory_space<hbm>>) target(%arg8 : memref<80xi32, #tpu.memory_space<vmem>>) target_semaphore(%arg21 : memref<!tpu.dma_semaphore, #tpu.memory_space<semaphore_mem>>)
    %add3A_22 = arith.constant 1 : i32
    %add3A_23 = arith.addi %mul3A_2, %add3A_22 : i32
    %dma_start3A_24 = arith.constant 0 : i32
    %dma_start3A_25 = tpu.memref_slice %arg3[%add3A_23, %dma_start3A_24] : memref<8000x80xi32, #tpu.memory_space<hbm>> -> memref<1x80xi32, #tpu.memory_space<hbm>>
    %dma_start3A_26 = tpu.memref_squeeze %dma_start3A_25 : memref<1x80xi32, #tpu.memory_space<hbm>> -> memref<80xi32, #tpu.memory_space<hbm>>
    %dma_start3A_27 = arith.constant 0 : i32
    %dma_start3A_28 = tpu.memref_slice %arg3[%add3A_23, %dma_start3A_27] : memref<8000x80xi32, #tpu.memory_space<hbm>> -> memref<1x80xi32, #tpu.memory_space<hbm>>
    %dma_start3A_29 = tpu.memref_squeeze %dma_start3A_28 : memref<1x80xi32, #tpu.memory_space<hbm>> -> memref<80xi32, #tpu.memory_space<hbm>>
    tpu.enqueue_dma source(%dma_start3A_29 : memref<80xi32, #tpu.memory_space<hbm>>) target(%arg6 : memref<80xi32, #tpu.memory_space<vmem>>) target_semaphore(%arg19 : memref<!tpu.dma_semaphore, #tpu.memory_space<semaphore_mem>>)
    %add3A_30 = arith.constant 1 : i32
    %add3A_31 = arith.addi %add3A_6, %add3A_30 : i32
    %dma_start3A_32 = arith.constant 0 : i32
    %dma_start3A_33 = tpu.memref_slice %arg3[%add3A_31, %dma_start3A_32] : memref<8000x80xi32, #tpu.memory_space<hbm>> -> memref<1x80xi32, #tpu.memory_space<hbm>>
    %dma_start3A_34 = tpu.memref_squeeze %dma_start3A_33 : memref<1x80xi32, #tpu.memory_space<hbm>> -> memref<80xi32, #tpu.memory_space<hbm>>
    %dma_start3A_35 = arith.constant 0 : i32
    %dma_start3A_36 = tpu.memref_slice %arg3[%add3A_31, %dma_start3A_35] : memref<8000x80xi32, #tpu.memory_space<hbm>> -> memref<1x80xi32, #tpu.memory_space<hbm>>
    %dma_start3A_37 = tpu.memref_squeeze %dma_start3A_36 : memref<1x80xi32, #tpu.memory_space<hbm>> -> memref<80xi32, #tpu.memory_space<hbm>>
    tpu.enqueue_dma source(%dma_start3A_37 : memref<80xi32, #tpu.memory_space<hbm>>) target(%arg9 : memref<80xi32, #tpu.memory_space<vmem>>) target_semaphore(%arg22 : memref<!tpu.dma_semaphore, #tpu.memory_space<semaphore_mem>>)
    %add3A_38 = arith.constant 2 : i32
    %add3A_39 = arith.addi %mul3A_2, %add3A_38 : i32
    %dma_start3A_40 = arith.constant 0 : i32
    %dma_start3A_41 = tpu.memref_slice %arg3[%add3A_39, %dma_start3A_40] : memref<8000x80xi32, #tpu.memory_space<hbm>> -> memref<1x80xi32, #tpu.memory_space<hbm>>
    %dma_start3A_42 = tpu.memref_squeeze %dma_start3A_41 : memref<1x80xi32, #tpu.memory_space<hbm>> -> memref<80xi32, #tpu.memory_space<hbm>>
    %dma_start3A_43 = arith.constant 0 : i32
    %dma_start3A_44 = tpu.memref_slice %arg3[%add3A_39, %dma_start3A_43] : memref<8000x80xi32, #tpu.memory_space<hbm>> -> memref<1x80xi32, #tpu.memory_space<hbm>>
    %dma_start3A_45 = tpu.memref_squeeze %dma_start3A_44 : memref<1x80xi32, #tpu.memory_space<hbm>> -> memref<80xi32, #tpu.memory_space<hbm>>
    tpu.enqueue_dma source(%dma_start3A_45 : memref<80xi32, #tpu.memory_space<hbm>>) target(%arg7 : memref<80xi32, #tpu.memory_space<vmem>>) target_semaphore(%arg20 : memref<!tpu.dma_semaphore, #tpu.memory_space<semaphore_mem>>)
    %add3A_46 = arith.constant 2 : i32
    %add3A_47 = arith.addi %add3A_6, %add3A_46 : i32
    %dma_start3A_48 = arith.constant 0 : i32
    %dma_start3A_49 = tpu.memref_slice %arg3[%add3A_47, %dma_start3A_48] : memref<8000x80xi32, #tpu.memory_space<hbm>> -> memref<1x80xi32, #tpu.memory_space<hbm>>
    %dma_start3A_50 = tpu.memref_squeeze %dma_start3A_49 : memref<1x80xi32, #tpu.memory_space<hbm>> -> memref<80xi32, #tpu.memory_space<hbm>>
    %dma_start3A_51 = arith.constant 0 : i32
    %dma_start3A_52 = tpu.memref_slice %arg3[%add3A_47, %dma_start3A_51] : memref<8000x80xi32, #tpu.memory_space<hbm>> -> memref<1x80xi32, #tpu.memory_space<hbm>>
    %dma_start3A_53 = tpu.memref_squeeze %dma_start3A_52 : memref<1x80xi32, #tpu.memory_space<hbm>> -> memref<80xi32, #tpu.memory_space<hbm>>
    tpu.enqueue_dma source(%dma_start3A_53 : memref<80xi32, #tpu.memory_space<hbm>>) target(%arg10 : memref<80xi32, #tpu.memory_space<vmem>>) target_semaphore(%arg23 : memref<!tpu.dma_semaphore, #tpu.memory_space<semaphore_mem>>)
    %scan3A = arith.constant 0 : i32
    %scan3A_54 = arith.constant 80 : i32
    %scan3A_55 = arith.addi %scan3A, %scan3A_54 : i32
    %scan3A_56 = arith.constant 1 : i32
    scf.for %scan3A_118 = %scan3A to %scan3A_55 step %scan3A_56  : i32 {
      %mul3A_119 = arith.constant 1 : i32
      %mul3A_120 = arith.muli %scan3A_118, %mul3A_119 : i32
      %add3A_121 = arith.constant 0 : i32
      %add3A_122 = arith.addi %add3A_121, %mul3A_120 : i32
      %broadcast_in_dim3A = arith.constant 0.000000e+00 : f32
      %broadcast_in_dim3A_123 = vector.broadcast %broadcast_in_dim3A : f32 to vector<16xf32>
      %swap3A = arith.index_cast %add3A_122 : i32 to index
      %swap3A_124 = arith.constant 0 : index
      %swap3A_125 = tpu.vector_load %arg11[%swap3A, %swap3A_124] {strides = array<i32>} : memref<80x136xf32, #tpu.memory_space<vmem>>, vector<1x16xf32>,
      %swap3A_126 = vector.shape_cast %swap3A_125 : vector<1x16xf32> to vector<16xf32>
      %swap3A_127 = vector.shape_cast %broadcast_in_dim3A_123 : vector<16xf32> to vector<1x16xf32>
      tpu.vector_store %arg11[%swap3A, %swap3A_124], %swap3A_127 {strides = array<i32>} : memref<80x136xf32, #tpu.memory_space<vmem>>, vector<1x16xf32>,
      %broadcast_in_dim3A_128 = arith.constant 0.000000e+00 : f32
      %broadcast_in_dim3A_129 = vector.broadcast %broadcast_in_dim3A_128 : f32 to vector<16xf32>
      %swap3A_130 = arith.index_cast %add3A_122 : i32 to index
      %swap3A_131 = arith.constant 16 : index
      %swap3A_132 = tpu.vector_load %arg11[%swap3A_130, %swap3A_131] {strides = array<i32>} : memref<80x136xf32, #tpu.memory_space<vmem>>, vector<1x16xf32>,
      %swap3A_133 = vector.shape_cast %swap3A_132 : vector<1x16xf32> to vector<16xf32>
      %swap3A_134 = vector.shape_cast %broadcast_in_dim3A_129 : vector<16xf32> to vector<1x16xf32>
      tpu.vector_store %arg11[%swap3A_130, %swap3A_131], %swap3A_134 {strides = array<i32>} : memref<80x136xf32, #tpu.memory_space<vmem>>, vector<1x16xf32>,
      %broadcast_in_dim3A_135 = arith.constant 0.000000e+00 : f32
      %broadcast_in_dim3A_136 = vector.broadcast %broadcast_in_dim3A_135 : f32 to vector<16xf32>
      %swap3A_137 = arith.index_cast %add3A_122 : i32 to index
      %swap3A_138 = arith.constant 32 : index
      %swap3A_139 = tpu.vector_load %arg11[%swap3A_137, %swap3A_138] {strides = array<i32>} : memref<80x136xf32, #tpu.memory_space<vmem>>, vector<1x16xf32>,
      %swap3A_140 = vector.shape_cast %swap3A_139 : vector<1x16xf32> to vector<16xf32>
      %swap3A_141 = vector.shape_cast %broadcast_in_dim3A_136 : vector<16xf32> to vector<1x16xf32>
      tpu.vector_store %arg11[%swap3A_137, %swap3A_138], %swap3A_141 {strides = array<i32>} : memref<80x136xf32, #tpu.memory_space<vmem>>, vector<1x16xf32>,
      %broadcast_in_dim3A_142 = arith.constant 0.000000e+00 : f32
      %broadcast_in_dim3A_143 = vector.broadcast %broadcast_in_dim3A_142 : f32 to vector<16xf32>
      %swap3A_144 = arith.index_cast %add3A_122 : i32 to index
      %swap3A_145 = arith.constant 48 : index
      %swap3A_146 = tpu.vector_load %arg11[%swap3A_144, %swap3A_145] {strides = array<i32>} : memref<80x136xf32, #tpu.memory_space<vmem>>, vector<1x16xf32>,
      %swap3A_147 = vector.shape_cast %swap3A_146 : vector<1x16xf32> to vector<16xf32>
      %swap3A_148 = vector.shape_cast %broadcast_in_dim3A_143 : vector<16xf32> to vector<1x16xf32>
      tpu.vector_store %arg11[%swap3A_144, %swap3A_145], %swap3A_148 {strides = array<i32>} : memref<80x136xf32, #tpu.memory_space<vmem>>, vector<1x16xf32>,
      %broadcast_in_dim3A_149 = arith.constant 0.000000e+00 : f32
      %broadcast_in_dim3A_150 = vector.broadcast %broadcast_in_dim3A_149 : f32 to vector<16xf32>
      %swap3A_151 = arith.index_cast %add3A_122 : i32 to index
      %swap3A_152 = arith.constant 64 : index
      %swap3A_153 = tpu.vector_load %arg11[%swap3A_151, %swap3A_152] {strides = array<i32>} : memref<80x136xf32, #tpu.memory_space<vmem>>, vector<1x16xf32>,
      %swap3A_154 = vector.shape_cast %swap3A_153 : vector<1x16xf32> to vector<16xf32>
      %swap3A_155 = vector.shape_cast %broadcast_in_dim3A_150 : vector<16xf32> to vector<1x16xf32>
      tpu.vector_store %arg11[%swap3A_151, %swap3A_152], %swap3A_155 {strides = array<i32>} : memref<80x136xf32, #tpu.memory_space<vmem>>, vector<1x16xf32>,
      %broadcast_in_dim3A_156 = arith.constant 0.000000e+00 : f32
      %broadcast_in_dim3A_157 = vector.broadcast %broadcast_in_dim3A_156 : f32 to vector<16xf32>
      %swap3A_158 = arith.index_cast %add3A_122 : i32 to index
      %swap3A_159 = arith.constant 80 : index
      %swap3A_160 = tpu.vector_load %arg11[%swap3A_158, %swap3A_159] {strides = array<i32>} : memref<80x136xf32, #tpu.memory_space<vmem>>, vector<1x16xf32>,
      %swap3A_161 = vector.shape_cast %swap3A_160 : vector<1x16xf32> to vector<16xf32>
      %swap3A_162 = vector.shape_cast %broadcast_in_dim3A_157 : vector<16xf32> to vector<1x16xf32>
      tpu.vector_store %arg11[%swap3A_158, %swap3A_159], %swap3A_162 {strides = array<i32>} : memref<80x136xf32, #tpu.memory_space<vmem>>, vector<1x16xf32>,
      %broadcast_in_dim3A_163 = arith.constant 0.000000e+00 : f32
      %broadcast_in_dim3A_164 = vector.broadcast %broadcast_in_dim3A_163 : f32 to vector<16xf32>
      %swap3A_165 = arith.index_cast %add3A_122 : i32 to index
      %swap3A_166 = arith.constant 96 : index
      %swap3A_167 = tpu.vector_load %arg11[%swap3A_165, %swap3A_166] {strides = array<i32>} : memref<80x136xf32, #tpu.memory_space<vmem>>, vector<1x16xf32>,
      %swap3A_168 = vector.shape_cast %swap3A_167 : vector<1x16xf32> to vector<16xf32>
      %swap3A_169 = vector.shape_cast %broadcast_in_dim3A_164 : vector<16xf32> to vector<1x16xf32>
      tpu.vector_store %arg11[%swap3A_165, %swap3A_166], %swap3A_169 {strides = array<i32>} : memref<80x136xf32, #tpu.memory_space<vmem>>, vector<1x16xf32>,
      %broadcast_in_dim3A_170 = arith.constant 0.000000e+00 : f32
      %broadcast_in_dim3A_171 = vector.broadcast %broadcast_in_dim3A_170 : f32 to vector<16xf32>
      %swap3A_172 = arith.index_cast %add3A_122 : i32 to index
      %swap3A_173 = arith.constant 112 : index
      %swap3A_174 = tpu.vector_load %arg11[%swap3A_172, %swap3A_173] {strides = array<i32>} : memref<80x136xf32, #tpu.memory_space<vmem>>, vector<1x16xf32>,
      %swap3A_175 = vector.shape_cast %swap3A_174 : vector<1x16xf32> to vector<16xf32>
      %swap3A_176 = vector.shape_cast %broadcast_in_dim3A_171 : vector<16xf32> to vector<1x16xf32>
      tpu.vector_store %arg11[%swap3A_172, %swap3A_173], %swap3A_176 {strides = array<i32>} : memref<80x136xf32, #tpu.memory_space<vmem>>, vector<1x16xf32>,
      %broadcast_in_dim3A_177 = arith.constant 0.000000e+00 : f32
      %broadcast_in_dim3A_178 = vector.broadcast %broadcast_in_dim3A_177 : f32 to vector<16xf32>
      %swap3A_179 = arith.index_cast %add3A_122 : i32 to index
      %swap3A_180 = arith.constant 120 : index
      %swap3A_181 = tpu.vector_load %arg11[%swap3A_179, %swap3A_180] {strides = array<i32>} : memref<80x136xf32, #tpu.memory_space<vmem>>, vector<1x16xf32>,
      %swap3A_182 = vector.shape_cast %swap3A_181 : vector<1x16xf32> to vector<16xf32>
      %swap3A_183 = vector.shape_cast %broadcast_in_dim3A_178 : vector<16xf32> to vector<1x16xf32>
      tpu.vector_store %arg11[%swap3A_179, %swap3A_180], %swap3A_183 {strides = array<i32>} : memref<80x136xf32, #tpu.memory_space<vmem>>, vector<1x16xf32>,
    }
    %scan3A_57 = arith.constant 80 : i32
    %scan3A_58 = arith.constant 0 : i32
    %scan3A_59 = arith.constant 7 : i32
    %scan3A_60 = arith.addi %scan3A_58, %scan3A_59 : i32
    %scan3A_61 = arith.constant 1 : i32
    scf.for %scan3A_118 = %scan3A_58 to %scan3A_60 step %scan3A_61  : i32 {
      %mul3A_119 = arith.constant 1 : i32
      %mul3A_120 = arith.muli %scan3A_118, %mul3A_119 : i32
      %add3A_121 = arith.constant 0 : i32
      %add3A_122 = arith.addi %add3A_121, %mul3A_120 : i32
      %mul3A_123 = arith.constant 624 : i32
      %mul3A_124 = arith.muli %arg1, %mul3A_123 : i32
      %mul3A_125 = arith.constant 80 : i32
      %mul3A_126 = arith.muli %add3A_122, %mul3A_125 : i32
      %add3A_127 = arith.addi %mul3A_124, %mul3A_126 : i32
      %multiple_of3A_128 = tpu.assume_multiple %add3A_127, 8 : i32
      "tpu.region"() ({
        %run_scoped3A = tpu.sem_alloc : memref<!tpu.dma_semaphore, #tpu.memory_space<semaphore_mem>>
        %dma_start3A_129 = arith.constant 0 : i32
        %dma_start3A_130 = tpu.memref_slice %arg14[%multiple_of3A_128, %dma_start3A_129] : memref<10000x136xf32, #tpu.memory_space<vmem_shared>> -> memref<80x136xf32, #tpu.memory_space<vmem_shared>>
        %dma_start3A_131 = arith.constant 0 : i32
        %dma_start3A_132 = tpu.memref_slice %arg14[%multiple_of3A_128, %dma_start3A_131] : memref<10000x136xf32, #tpu.memory_space<vmem_shared>> -> memref<80x136xf32, #tpu.memory_space<vmem_shared>>
        tpu.enqueue_dma source(%arg11 : memref<80x136xf32, #tpu.memory_space<vmem>>) target(%dma_start3A_132 : memref<80x136xf32, #tpu.memory_space<vmem_shared>>) target_semaphore(%run_scoped3A : memref<!tpu.dma_semaphore, #tpu.memory_space<semaphore_mem>>)
        %dma_wait3A_133 = arith.constant 0 : i32
        %dma_wait3A_134 = tpu.memref_slice %arg14[%multiple_of3A_128, %dma_wait3A_133] : memref<10000x136xf32, #tpu.memory_space<vmem_shared>> -> memref<80x136xf32, #tpu.memory_space<vmem_shared>>
        %dma_wait3A_135 = arith.constant 0 : i32
        %dma_wait3A_136 = tpu.memref_slice %arg14[%multiple_of3A_128, %dma_wait3A_135] : memref<10000x136xf32, #tpu.memory_space<vmem_shared>> -> memref<80x136xf32, #tpu.memory_space<vmem_shared>>
        tpu.wait_dma2 semaphore(%run_scoped3A : memref<!tpu.dma_semaphore, #tpu.memory_space<semaphore_mem>>) src(%arg11 : memref<80x136xf32, #tpu.memory_space<vmem>>) dst(%dma_wait3A_136 : memref<80x136xf32, #tpu.memory_space<vmem_shared>>)
        tpu.yield
      }) : () -> ()
    }
    %scan3A_62 = arith.constant 7 : i32
    %mul3A_63 = arith.constant 624 : i32
    %mul3A_64 = arith.muli %arg1, %mul3A_63 : i32
    %add3A_65 = arith.constant 560 : i32
    %add3A_66 = arith.addi %mul3A_64, %add3A_65 : i32
    %multiple_of3A = tpu.assume_multiple %add3A_66, 8 : i32
    "tpu.region"() ({
      %run_scoped3A = tpu.sem_alloc : memref<!tpu.dma_semaphore, #tpu.memory_space<semaphore_mem>>
      %dma_start3A_118 = arith.constant 0 : i32
      %dma_start3A_119 = arith.constant 0 : i32
      %dma_start3A_120 = tpu.memref_slice %arg11[%dma_start3A_118, %dma_start3A_119] : memref<80x136xf32, #tpu.memory_space<vmem>> -> memref<64x136xf32, #tpu.memory_space<vmem>>
      %dma_start3A_121 = arith.constant 0 : i32
      %dma_start3A_122 = tpu.memref_slice %arg14[%multiple_of3A, %dma_start3A_121] : memref<10000x136xf32, #tpu.memory_space<vmem_shared>> -> memref<64x136xf32, #tpu.memory_space<vmem_shared>>
      %dma_start3A_123 = arith.constant 0 : i32
      %dma_start3A_124 = tpu.memref_slice %arg14[%multiple_of3A, %dma_start3A_123] : memref<10000x136xf32, #tpu.memory_space<vmem_shared>> -> memref<64x136xf32, #tpu.memory_space<vmem_shared>>
      %dma_start3A_125 = arith.constant 0 : i32
      %dma_start3A_126 = arith.constant 0 : i32
      %dma_start3A_127 = tpu.memref_slice %arg11[%dma_start3A_125, %dma_start3A_126] : memref<80x136xf32, #tpu.memory_space<vmem>> -> memref<64x136xf32, #tpu.memory_space<vmem>>
      tpu.enqueue_dma source(%dma_start3A_127 : memref<64x136xf32, #tpu.memory_space<vmem>>) target(%dma_start3A_124 : memref<64x136xf32, #tpu.memory_space<vmem_shared>>) target_semaphore(%run_scoped3A : memref<!tpu.dma_semaphore, #tpu.memory_space<semaphore_mem>>)
      %dma_wait3A_128 = arith.constant 0 : i32
      %dma_wait3A_129 = arith.constant 0 : i32
      %dma_wait3A_130 = tpu.memref_slice %arg11[%dma_wait3A_128, %dma_wait3A_129] : memref<80x136xf32, #tpu.memory_space<vmem>> -> memref<64x136xf32, #tpu.memory_space<vmem>>
      %dma_wait3A_131 = arith.constant 0 : i32
      %dma_wait3A_132 = tpu.memref_slice %arg14[%multiple_of3A, %dma_wait3A_131] : memref<10000x136xf32, #tpu.memory_space<vmem_shared>> -> memref<64x136xf32, #tpu.memory_space<vmem_shared>>
      %dma_wait3A_133 = arith.constant 0 : i32
      %dma_wait3A_134 = tpu.memref_slice %arg14[%multiple_of3A, %dma_wait3A_133] : memref<10000x136xf32, #tpu.memory_space<vmem_shared>> -> memref<64x136xf32, #tpu.memory_space<vmem_shared>>
      %dma_wait3A_135 = arith.constant 0 : i32
      %dma_wait3A_136 = arith.constant 0 : i32
      %dma_wait3A_137 = tpu.memref_slice %arg11[%dma_wait3A_135, %dma_wait3A_136] : memref<80x136xf32, #tpu.memory_space<vmem>> -> memref<64x136xf32, #tpu.memory_space<vmem>>
      tpu.wait_dma2 semaphore(%run_scoped3A : memref<!tpu.dma_semaphore, #tpu.memory_space<semaphore_mem>>) src(%dma_wait3A_137 : memref<64x136xf32, #tpu.memory_space<vmem>>) dst(%dma_wait3A_134 : memref<64x136xf32, #tpu.memory_space<vmem_shared>>)
      tpu.yield
    }) : () -> ()
    %eq3A = arith.constant 15 : i32
    %eq3A_67 = arith.cmpi eq, %arg1, %eq3A : i32
    %convert_element_type3A = arith.extui %eq3A_67 : i1 to i32
    %cond3A = arith.constant 0 : i32
    %cond3A_68 = arith.cmpi ne, %convert_element_type3A, %cond3A : i32
    scf.if %cond3A_68 {
      "tpu.region"() ({
        %run_scoped3A = tpu.sem_alloc : memref<!tpu.dma_semaphore, #tpu.memory_space<semaphore_mem>>
        %dma_start3A_118 = arith.constant 0 : i32
        %dma_start3A_119 = arith.constant 0 : i32
        %dma_start3A_120 = tpu.memref_slice %arg11[%dma_start3A_118, %dma_start3A_119] : memref<80x136xf32, #tpu.memory_space<vmem>> -> memref<16x136xf32, #tpu.memory_space<vmem>>
        %dma_start3A_121 = arith.constant 9984 : i32
        %dma_start3A_122 = arith.constant 0 : i32
        %dma_start3A_123 = tpu.memref_slice %arg14[%dma_start3A_121, %dma_start3A_122] : memref<10000x136xf32, #tpu.memory_space<vmem_shared>> -> memref<16x136xf32, #tpu.memory_space<vmem_shared>>
        %dma_start3A_124 = arith.constant 9984 : i32
        %dma_start3A_125 = arith.constant 0 : i32
        %dma_start3A_126 = tpu.memref_slice %arg14[%dma_start3A_124, %dma_start3A_125] : memref<10000x136xf32, #tpu.memory_space<vmem_shared>> -> memref<16x136xf32, #tpu.memory_space<vmem_shared>>
        %dma_start3A_127 = arith.constant 0 : i32
        %dma_start3A_128 = arith.constant 0 : i32
        %dma_start3A_129 = tpu.memref_slice %arg11[%dma_start3A_127, %dma_start3A_128] : memref<80x136xf32, #tpu.memory_space<vmem>> -> memref<16x136xf32, #tpu.memory_space<vmem>>
        tpu.enqueue_dma source(%dma_start3A_129 : memref<16x136xf32, #tpu.memory_space<vmem>>) target(%dma_start3A_126 : memref<16x136xf32, #tpu.memory_space<vmem_shared>>) target_semaphore(%run_scoped3A : memref<!tpu.dma_semaphore, #tpu.memory_space<semaphore_mem>>)
        %dma_wait3A_130 = arith.constant 0 : i32
        %dma_wait3A_131 = arith.constant 0 : i32
        %dma_wait3A_132 = tpu.memref_slice %arg11[%dma_wait3A_130, %dma_wait3A_131] : memref<80x136xf32, #tpu.memory_space<vmem>> -> memref<16x136xf32, #tpu.memory_space<vmem>>
        %dma_wait3A_133 = arith.constant 9984 : i32
        %dma_wait3A_134 = arith.constant 0 : i32
        %dma_wait3A_135 = tpu.memref_slice %arg14[%dma_wait3A_133, %dma_wait3A_134] : memref<10000x136xf32, #tpu.memory_space<vmem_shared>> -> memref<16x136xf32, #tpu.memory_space<vmem_shared>>
        %dma_wait3A_136 = arith.constant 9984 : i32
        %dma_wait3A_137 = arith.constant 0 : i32
        %dma_wait3A_138 = tpu.memref_slice %arg14[%dma_wait3A_136, %dma_wait3A_137] : memref<10000x136xf32, #tpu.memory_space<vmem_shared>> -> memref<16x136xf32, #tpu.memory_space<vmem_shared>>
        %dma_wait3A_139 = arith.constant 0 : i32
        %dma_wait3A_140 = arith.constant 0 : i32
        %dma_wait3A_141 = tpu.memref_slice %arg11[%dma_wait3A_139, %dma_wait3A_140] : memref<80x136xf32, #tpu.memory_space<vmem>> -> memref<16x136xf32, #tpu.memory_space<vmem>>
        tpu.wait_dma2 semaphore(%run_scoped3A : memref<!tpu.dma_semaphore, #tpu.memory_space<semaphore_mem>>) src(%dma_wait3A_141 : memref<16x136xf32, #tpu.memory_space<vmem>>) dst(%dma_wait3A_138 : memref<16x136xf32, #tpu.memory_space<vmem_shared>>)
        tpu.yield
      }) : () -> ()
    } else {
    }
    %barrier3A = arith.constant 0 : index
    tpu.barrier barrier_id(%barrier3A)
    %dma_wait3A = arith.constant 0 : i32
    %dma_wait3A_69 = tpu.memref_slice %arg3[%mul3A_2, %dma_wait3A] : memref<8000x80xi32, #tpu.memory_space<hbm>> -> memref<1x80xi32, #tpu.memory_space<hbm>>
    %dma_wait3A_70 = tpu.memref_squeeze %dma_wait3A_69 : memref<1x80xi32, #tpu.memory_space<hbm>> -> memref<80xi32, #tpu.memory_space<hbm>>
    %dma_wait3A_71 = arith.constant 0 : i32
    %dma_wait3A_72 = tpu.memref_slice %arg3[%mul3A_2, %dma_wait3A_71] : memref<8000x80xi32, #tpu.memory_space<hbm>> -> memref<1x80xi32, #tpu.memory_space<hbm>>
    %dma_wait3A_73 = tpu.memref_squeeze %dma_wait3A_72 : memref<1x80xi32, #tpu.memory_space<hbm>> -> memref<80xi32, #tpu.memory_space<hbm>>
    tpu.wait_dma2 semaphore(%arg18 : memref<!tpu.dma_semaphore, #tpu.memory_space<semaphore_mem>>) src(%dma_wait3A_73 : memref<80xi32, #tpu.memory_space<hbm>>) dst(%arg5 : memref<80xi32, #tpu.memory_space<vmem>>)
    %dma_start3A_74 = arith.constant 0 : i32
    %dma_start3A_75 = arith.constant 0 : i32
    %dma_start3A_76 = tpu.memref_slice %arg2[%dma_start3A_74, %dma_start3A_75] : memref<10000x136xf32, #tpu.memory_space<hbm>> -> memref<10000x136xf32, #tpu.memory_space<hbm>>
    tpu.enqueue_indirect_dma source(%dma_start3A_76 : memref<10000x136xf32, #tpu.memory_space<hbm>>) target(%arg11 : memref<80x136xf32, #tpu.memory_space<vmem>>) offsets(%arg5 : memref<80xi32, #tpu.memory_space<vmem>>) semaphore(%arg15 : memref<!tpu.dma_semaphore, #tpu.memory_space<semaphore_mem>>)
    %dma_wait3A_77 = arith.constant 0 : i32
    %dma_wait3A_78 = tpu.memref_slice %arg3[%mul3A_2, %dma_wait3A_77] : memref<8000x80xi32, #tpu.memory_space<hbm>> -> memref<1x80xi32, #tpu.memory_space<hbm>>
    %dma_wait3A_79 = tpu.memref_squeeze %dma_wait3A_78 : memref<1x80xi32, #tpu.memory_space<hbm>> -> memref<80xi32, #tpu.memory_space<hbm>>
    %dma_wait3A_80 = arith.constant 0 : i32
    %dma_wait3A_81 = tpu.memref_slice %arg3[%mul3A_2, %dma_wait3A_80] : memref<8000x80xi32, #tpu.memory_space<hbm>> -> memref<1x80xi32, #tpu.memory_space<hbm>>
    %dma_wait3A_82 = tpu.memref_squeeze %dma_wait3A_81 : memref<1x80xi32, #tpu.memory_space<hbm>> -> memref<80xi32, #tpu.memory_space<hbm>>
    tpu.wait_dma2 semaphore(%arg19 : memref<!tpu.dma_semaphore, #tpu.memory_space<semaphore_mem>>) src(%dma_wait3A_82 : memref<80xi32, #tpu.memory_space<hbm>>) dst(%arg6 : memref<80xi32, #tpu.memory_space<vmem>>)
    %dma_start3A_83 = arith.constant 0 : i32
    %dma_start3A_84 = arith.constant 0 : i32
    %dma_start3A_85 = tpu.memref_slice %arg2[%dma_start3A_83, %dma_start3A_84] : memref<10000x136xf32, #tpu.memory_space<hbm>> -> memref<10000x136xf32, #tpu.memory_space<hbm>>
    tpu.enqueue_indirect_dma source(%dma_start3A_85 : memref<10000x136xf32, #tpu.memory_space<hbm>>) target(%arg12 : memref<80x136xf32, #tpu.memory_space<vmem>>) offsets(%arg6 : memref<80xi32, #tpu.memory_space<vmem>>) semaphore(%arg16 : memref<!tpu.dma_semaphore, #tpu.memory_space<semaphore_mem>>)
    %scan3A_86 = arith.constant 0 : i32
    %scan3A_87 = arith.constant 41 : i32
    %scan3A_88 = arith.addi %scan3A_86, %scan3A_87 : i32
    %scan3A_89 = arith.constant 1 : i32
    scf.for %scan3A_118 = %scan3A_86 to %scan3A_88 step %scan3A_89  : i32 {
      %mul3A_119 = arith.constant 3 : i32
      %mul3A_120 = arith.muli %scan3A_118, %mul3A_119 : i32
      %add3A_121 = arith.constant 0 : i32
      %add3A_122 = arith.addi %add3A_121, %mul3A_120 : i32
      %dma_wait3A_123 = arith.constant 0 : i32
      %dma_wait3A_124 = arith.constant 0 : i32
      %dma_wait3A_125 = tpu.memref_slice %arg2[%dma_wait3A_123, %dma_wait3A_124] : memref<10000x136xf32, #tpu.memory_space<hbm>> -> memref<10000x136xf32, #tpu.memory_space<hbm>>
      tpu.wait_indirect_dma semaphore(%arg15 : memref<!tpu.dma_semaphore, #tpu.memory_space<semaphore_mem>>) src(%dma_wait3A_125 : memref<10000x136xf32, #tpu.memory_space<hbm>>) dst(%arg11 : memref<80x136xf32, #tpu.memory_space<vmem>>)
      %dma_wait3A_126 = arith.constant 0 : i32
      %dma_wait3A_127 = tpu.memref_slice %arg3[%add3A_6, %dma_wait3A_126] : memref<8000x80xi32, #tpu.memory_space<hbm>> -> memref<1x80xi32, #tpu.memory_space<hbm>>
      %dma_wait3A_128 = tpu.memref_squeeze %dma_wait3A_127 : memref<1x80xi32, #tpu.memory_space<hbm>> -> memref<80xi32, #tpu.memory_space<hbm>>
      %dma_wait3A_129 = arith.constant 0 : i32
      %dma_wait3A_130 = tpu.memref_slice %arg3[%add3A_6, %dma_wait3A_129] : memref<8000x80xi32, #tpu.memory_space<hbm>> -> memref<1x80xi32, #tpu.memory_space<hbm>>
      %dma_wait3A_131 = tpu.memref_squeeze %dma_wait3A_130 : memref<1x80xi32, #tpu.memory_space<hbm>> -> memref<80xi32, #tpu.memory_space<hbm>>
      tpu.wait_dma2 semaphore(%arg21 : memref<!tpu.dma_semaphore, #tpu.memory_space<semaphore_mem>>) src(%dma_wait3A_131 : memref<80xi32, #tpu.memory_space<hbm>>) dst(%arg8 : memref<80xi32, #tpu.memory_space<vmem>>)
      "tpu.region"() ({
        %run_scoped3A = tpu.sem_alloc : memref<!tpu.dma_semaphore, #tpu.memory_space<semaphore_mem>>
        %dma_start3A_195 = arith.constant 0 : i32
        %dma_start3A_196 = arith.constant 0 : i32
        %dma_start3A_197 = tpu.memref_slice %arg14[%dma_start3A_195, %dma_start3A_196] : memref<10000x136xf32, #tpu.memory_space<vmem_shared>> -> memref<10000x136xf32, #tpu.memory_space<vmem_shared>>
        tpu.enqueue_indirect_dma source(%arg11 : memref<80x136xf32, #tpu.memory_space<vmem>>) target(%dma_start3A_197 : memref<10000x136xf32, #tpu.memory_space<vmem_shared>>) offsets(%arg8 : memref<80xi32, #tpu.memory_space<vmem>>) semaphore(%run_scoped3A : memref<!tpu.dma_semaphore, #tpu.memory_space<semaphore_mem>>) {add = true}
        %dma_wait3A_198 = arith.constant 0 : i32
        %dma_wait3A_199 = arith.constant 0 : i32
        %dma_wait3A_200 = tpu.memref_slice %arg14[%dma_wait3A_198, %dma_wait3A_199] : memref<10000x136xf32, #tpu.memory_space<vmem_shared>> -> memref<10000x136xf32, #tpu.memory_space<vmem_shared>>
        tpu.wait_indirect_dma semaphore(%run_scoped3A : memref<!tpu.dma_semaphore, #tpu.memory_space<semaphore_mem>>) src(%arg11 : memref<80x136xf32, #tpu.memory_space<vmem>>) dst(%dma_wait3A_200 : memref<10000x136xf32, #tpu.memory_space<vmem_shared>>)
        tpu.yield
      }) : () -> ()
      %add3A_132 = arith.constant 3 : i32
      %add3A_133 = arith.addi %add3A_122, %add3A_132 : i32
      %lt3A = arith.constant 125 : i32
      %lt3A_134 = arith.cmpi slt, %add3A_133, %lt3A : i32
      %convert_element_type3A_135 = arith.extui %lt3A_134 : i1 to i32
      %cond3A_136 = arith.constant 0 : i32
      %cond3A_137 = arith.cmpi ne, %convert_element_type3A_135, %cond3A_136 : i32
      scf.if %cond3A_137 {
        %add3A_195 = arith.constant 3 : i32
        %add3A_196 = arith.addi %add3A_122, %add3A_195 : i32
        %add3A_197 = arith.addi %mul3A_2, %add3A_196 : i32
        %dma_start3A_198 = arith.constant 0 : i32
        %dma_start3A_199 = tpu.memref_slice %arg3[%add3A_197, %dma_start3A_198] : memref<8000x80xi32, #tpu.memory_space<hbm>> -> memref<1x80xi32, #tpu.memory_space<hbm>>
        %dma_start3A_200 = tpu.memref_squeeze %dma_start3A_199 : memref<1x80xi32, #tpu.memory_space<hbm>> -> memref<80xi32, #tpu.memory_space<hbm>>
        %dma_start3A_201 = arith.constant 0 : i32
        %dma_start3A_202 = tpu.memref_slice %arg3[%add3A_197, %dma_start3A_201] : memref<8000x80xi32, #tpu.memory_space<hbm>> -> memref<1x80xi32, #tpu.memory_space<hbm>>
        %dma_start3A_203 = tpu.memref_squeeze %dma_start3A_202 : memref<1x80xi32, #tpu.memory_space<hbm>> -> memref<80xi32, #tpu.memory_space<hbm>>
        tpu.enqueue_dma source(%dma_start3A_203 : memref<80xi32, #tpu.memory_space<hbm>>) target(%arg5 : memref<80xi32, #tpu.memory_space<vmem>>) target_semaphore(%arg18 : memref<!tpu.dma_semaphore, #tpu.memory_space<semaphore_mem>>)
        %add3A_204 = arith.constant 3 : i32
        %add3A_205 = arith.addi %add3A_122, %add3A_204 : i32
        %add3A_206 = arith.addi %add3A_6, %add3A_205 : i32
        %dma_start3A_207 = arith.constant 0 : i32
        %dma_start3A_208 = tpu.memref_slice %arg3[%add3A_206, %dma_start3A_207] : memref<8000x80xi32, #tpu.memory_space<hbm>> -> memref<1x80xi32, #tpu.memory_space<hbm>>
        %dma_start3A_209 = tpu.memref_squeeze %dma_start3A_208 : memref<1x80xi32, #tpu.memory_space<hbm>> -> memref<80xi32, #tpu.memory_space<hbm>>
        %dma_start3A_210 = arith.constant 0 : i32
        %dma_start3A_211 = tpu.memref_slice %arg3[%add3A_206, %dma_start3A_210] : memref<8000x80xi32, #tpu.memory_space<hbm>> -> memref<1x80xi32, #tpu.memory_space<hbm>>
        %dma_start3A_212 = tpu.memref_squeeze %dma_start3A_211 : memref<1x80xi32, #tpu.memory_space<hbm>> -> memref<80xi32, #tpu.memory_space<hbm>>
        tpu.enqueue_dma source(%dma_start3A_212 : memref<80xi32, #tpu.memory_space<hbm>>) target(%arg8 : memref<80xi32, #tpu.memory_space<vmem>>) target_semaphore(%arg21 : memref<!tpu.dma_semaphore, #tpu.memory_space<semaphore_mem>>)
      } else {
      }
      %add3A_138 = arith.constant 2 : i32
      %add3A_139 = arith.addi %add3A_122, %add3A_138 : i32
      %lt3A_140 = arith.constant 125 : i32
      %lt3A_141 = arith.cmpi slt, %add3A_139, %lt3A_140 : i32
      %convert_element_type3A_142 = arith.extui %lt3A_141 : i1 to i32
      %cond3A_143 = arith.constant 0 : i32
      %cond3A_144 = arith.cmpi ne, %convert_element_type3A_142, %cond3A_143 : i32
      scf.if %cond3A_144 {
        %dma_wait3A_195 = arith.constant 0 : i32
        %dma_wait3A_196 = tpu.memref_slice %arg3[%mul3A_2, %dma_wait3A_195] : memref<8000x80xi32, #tpu.memory_space<hbm>> -> memref<1x80xi32, #tpu.memory_space<hbm>>
        %dma_wait3A_197 = tpu.memref_squeeze %dma_wait3A_196 : memref<1x80xi32, #tpu.memory_space<hbm>> -> memref<80xi32, #tpu.memory_space<hbm>>
        %dma_wait3A_198 = arith.constant 0 : i32
        %dma_wait3A_199 = tpu.memref_slice %arg3[%mul3A_2, %dma_wait3A_198] : memref<8000x80xi32, #tpu.memory_space<hbm>> -> memref<1x80xi32, #tpu.memory_space<hbm>>
        %dma_wait3A_200 = tpu.memref_squeeze %dma_wait3A_199 : memref<1x80xi32, #tpu.memory_space<hbm>> -> memref<80xi32, #tpu.memory_space<hbm>>
        tpu.wait_dma2 semaphore(%arg20 : memref<!tpu.dma_semaphore, #tpu.memory_space<semaphore_mem>>) src(%dma_wait3A_200 : memref<80xi32, #tpu.memory_space<hbm>>) dst(%arg7 : memref<80xi32, #tpu.memory_space<vmem>>)
        %dma_start3A_201 = arith.constant 0 : i32
        %dma_start3A_202 = arith.constant 0 : i32
        %dma_start3A_203 = tpu.memref_slice %arg2[%dma_start3A_201, %dma_start3A_202] : memref<10000x136xf32, #tpu.memory_space<hbm>> -> memref<10000x136xf32, #tpu.memory_space<hbm>>
        tpu.enqueue_indirect_dma source(%dma_start3A_203 : memref<10000x136xf32, #tpu.memory_space<hbm>>) target(%arg13 : memref<80x136xf32, #tpu.memory_space<vmem>>) offsets(%arg7 : memref<80xi32, #tpu.memory_space<vmem>>) semaphore(%arg17 : memref<!tpu.dma_semaphore, #tpu.memory_space<semaphore_mem>>)
      } else {
      }
      %add3A_145 = arith.constant 1 : i32
      %add3A_146 = arith.addi %add3A_122, %add3A_145 : i32
      %dma_wait3A_147 = arith.constant 0 : i32
      %dma_wait3A_148 = arith.constant 0 : i32
      %dma_wait3A_149 = tpu.memref_slice %arg2[%dma_wait3A_147, %dma_wait3A_148] : memref<10000x136xf32, #tpu.memory_space<hbm>> -> memref<10000x136xf32, #tpu.memory_space<hbm>>
      tpu.wait_indirect_dma semaphore(%arg16 : memref<!tpu.dma_semaphore, #tpu.memory_space<semaphore_mem>>) src(%dma_wait3A_149 : memref<10000x136xf32, #tpu.memory_space<hbm>>) dst(%arg12 : memref<80x136xf32, #tpu.memory_space<vmem>>)
      %dma_wait3A_150 = arith.constant 0 : i32
      %dma_wait3A_151 = tpu.memref_slice %arg3[%add3A_6, %dma_wait3A_150] : memref<8000x80xi32, #tpu.memory_space<hbm>> -> memref<1x80xi32, #tpu.memory_space<hbm>>
      %dma_wait3A_152 = tpu.memref_squeeze %dma_wait3A_151 : memref<1x80xi32, #tpu.memory_space<hbm>> -> memref<80xi32, #tpu.memory_space<hbm>>
      %dma_wait3A_153 = arith.constant 0 : i32
      %dma_wait3A_154 = tpu.memref_slice %arg3[%add3A_6, %dma_wait3A_153] : memref<8000x80xi32, #tpu.memory_space<hbm>> -> memref<1x80xi32, #tpu.memory_space<hbm>>
      %dma_wait3A_155 = tpu.memref_squeeze %dma_wait3A_154 : memref<1x80xi32, #tpu.memory_space<hbm>> -> memref<80xi32, #tpu.memory_space<hbm>>
      tpu.wait_dma2 semaphore(%arg22 : memref<!tpu.dma_semaphore, #tpu.memory_space<semaphore_mem>>) src(%dma_wait3A_155 : memref<80xi32, #tpu.memory_space<hbm>>) dst(%arg9 : memref<80xi32, #tpu.memory_space<vmem>>)
      "tpu.region"() ({
        %run_scoped3A = tpu.sem_alloc : memref<!tpu.dma_semaphore, #tpu.memory_space<semaphore_mem>>
        %dma_start3A_195 = arith.constant 0 : i32
        %dma_start3A_196 = arith.constant 0 : i32
        %dma_start3A_197 = tpu.memref_slice %arg14[%dma_start3A_195, %dma_start3A_196] : memref<10000x136xf32, #tpu.memory_space<vmem_shared>> -> memref<10000x136xf32, #tpu.memory_space<vmem_shared>>
        tpu.enqueue_indirect_dma source(%arg12 : memref<80x136xf32, #tpu.memory_space<vmem>>) target(%dma_start3A_197 : memref<10000x136xf32, #tpu.memory_space<vmem_shared>>) offsets(%arg9 : memref<80xi32, #tpu.memory_space<vmem>>) semaphore(%run_scoped3A : memref<!tpu.dma_semaphore, #tpu.memory_space<semaphore_mem>>) {add = true}
        %dma_wait3A_198 = arith.constant 0 : i32
        %dma_wait3A_199 = arith.constant 0 : i32
        %dma_wait3A_200 = tpu.memref_slice %arg14[%dma_wait3A_198, %dma_wait3A_199] : memref<10000x136xf32, #tpu.memory_space<vmem_shared>> -> memref<10000x136xf32, #tpu.memory_space<vmem_shared>>
        tpu.wait_indirect_dma semaphore(%run_scoped3A : memref<!tpu.dma_semaphore, #tpu.memory_space<semaphore_mem>>) src(%arg12 : memref<80x136xf32, #tpu.memory_space<vmem>>) dst(%dma_wait3A_200 : memref<10000x136xf32, #tpu.memory_space<vmem_shared>>)
        tpu.yield
      }) : () -> ()
      %add3A_156 = arith.constant 3 : i32
      %add3A_157 = arith.addi %add3A_146, %add3A_156 : i32
      %lt3A_158 = arith.constant 125 : i32
      %lt3A_159 = arith.cmpi slt, %add3A_157, %lt3A_158 : i32
      %convert_element_type3A_160 = arith.extui %lt3A_159 : i1 to i32
      %cond3A_161 = arith.constant 0 : i32
      %cond3A_162 = arith.cmpi ne, %convert_element_type3A_160, %cond3A_161 : i32
      scf.if %cond3A_162 {
        %add3A_195 = arith.constant 3 : i32
        %add3A_196 = arith.addi %add3A_146, %add3A_195 : i32
        %add3A_197 = arith.addi %mul3A_2, %add3A_196 : i32
        %dma_start3A_198 = arith.constant 0 : i32
        %dma_start3A_199 = tpu.memref_slice %arg3[%add3A_197, %dma_start3A_198] : memref<8000x80xi32, #tpu.memory_space<hbm>> -> memref<1x80xi32, #tpu.memory_space<hbm>>
        %dma_start3A_200 = tpu.memref_squeeze %dma_start3A_199 : memref<1x80xi32, #tpu.memory_space<hbm>> -> memref<80xi32, #tpu.memory_space<hbm>>
        %dma_start3A_201 = arith.constant 0 : i32
        %dma_start3A_202 = tpu.memref_slice %arg3[%add3A_197, %dma_start3A_201] : memref<8000x80xi32, #tpu.memory_space<hbm>> -> memref<1x80xi32, #tpu.memory_space<hbm>>
        %dma_start3A_203 = tpu.memref_squeeze %dma_start3A_202 : memref<1x80xi32, #tpu.memory_space<hbm>> -> memref<80xi32, #tpu.memory_space<hbm>>
        tpu.enqueue_dma source(%dma_start3A_203 : memref<80xi32, #tpu.memory_space<hbm>>) target(%arg6 : memref<80xi32, #tpu.memory_space<vmem>>) target_semaphore(%arg19 : memref<!tpu.dma_semaphore, #tpu.memory_space<semaphore_mem>>)
        %add3A_204 = arith.constant 3 : i32
        %add3A_205 = arith.addi %add3A_146, %add3A_204 : i32
        %add3A_206 = arith.addi %add3A_6, %add3A_205 : i32
        %dma_start3A_207 = arith.constant 0 : i32
        %dma_start3A_208 = tpu.memref_slice %arg3[%add3A_206, %dma_start3A_207] : memref<8000x80xi32, #tpu.memory_space<hbm>> -> memref<1x80xi32, #tpu.memory_space<hbm>>
        %dma_start3A_209 = tpu.memref_squeeze %dma_start3A_208 : memref<1x80xi32, #tpu.memory_space<hbm>> -> memref<80xi32, #tpu.memory_space<hbm>>
        %dma_start3A_210 = arith.constant 0 : i32
        %dma_start3A_211 = tpu.memref_slice %arg3[%add3A_206, %dma_start3A_210] : memref<8000x80xi32, #tpu.memory_space<hbm>> -> memref<1x80xi32, #tpu.memory_space<hbm>>
        %dma_start3A_212 = tpu.memref_squeeze %dma_start3A_211 : memref<1x80xi32, #tpu.memory_space<hbm>> -> memref<80xi32, #tpu.memory_space<hbm>>
        tpu.enqueue_dma source(%dma_start3A_212 : memref<80xi32, #tpu.memory_space<hbm>>) target(%arg9 : memref<80xi32, #tpu.memory_space<vmem>>) target_semaphore(%arg22 : memref<!tpu.dma_semaphore, #tpu.memory_space<semaphore_mem>>)
      } else {
      }
      %add3A_163 = arith.constant 2 : i32
      %add3A_164 = arith.addi %add3A_146, %add3A_163 : i32
      %lt3A_165 = arith.constant 125 : i32
      %lt3A_166 = arith.cmpi slt, %add3A_164, %lt3A_165 : i32
      %convert_element_type3A_167 = arith.extui %lt3A_166 : i1 to i32
      %cond3A_168 = arith.constant 0 : i32
      %cond3A_169 = arith.cmpi ne, %convert_element_type3A_167, %cond3A_168 : i32
      scf.if %cond3A_169 {
        %dma_wait3A_195 = arith.constant 0 : i32
        %dma_wait3A_196 = tpu.memref_slice %arg3[%mul3A_2, %dma_wait3A_195] : memref<8000x80xi32, #tpu.memory_space<hbm>> -> memref<1x80xi32, #tpu.memory_space<hbm>>
        %dma_wait3A_197 = tpu.memref_squeeze %dma_wait3A_196 : memref<1x80xi32, #tpu.memory_space<hbm>> -> memref<80xi32, #tpu.memory_space<hbm>>
        %dma_wait3A_198 = arith.constant 0 : i32
        %dma_wait3A_199 = tpu.memref_slice %arg3[%mul3A_2, %dma_wait3A_198] : memref<8000x80xi32, #tpu.memory_space<hbm>> -> memref<1x80xi32, #tpu.memory_space<hbm>>
        %dma_wait3A_200 = tpu.memref_squeeze %dma_wait3A_199 : memref<1x80xi32, #tpu.memory_space<hbm>> -> memref<80xi32, #tpu.memory_space<hbm>>
        tpu.wait_dma2 semaphore(%arg18 : memref<!tpu.dma_semaphore, #tpu.memory_space<semaphore_mem>>) src(%dma_wait3A_200 : memref<80xi32, #tpu.memory_space<hbm>>) dst(%arg5 : memref<80xi32, #tpu.memory_space<vmem>>)
        %dma_start3A_201 = arith.constant 0 : i32
        %dma_start3A_202 = arith.constant 0 : i32
        %dma_start3A_203 = tpu.memref_slice %arg2[%dma_start3A_201, %dma_start3A_202] : memref<10000x136xf32, #tpu.memory_space<hbm>> -> memref<10000x136xf32, #tpu.memory_space<hbm>>
        tpu.enqueue_indirect_dma source(%dma_start3A_203 : memref<10000x136xf32, #tpu.memory_space<hbm>>) target(%arg11 : memref<80x136xf32, #tpu.memory_space<vmem>>) offsets(%arg5 : memref<80xi32, #tpu.memory_space<vmem>>) semaphore(%arg15 : memref<!tpu.dma_semaphore, #tpu.memory_space<semaphore_mem>>)
      } else {
      }
      %add3A_170 = arith.constant 2 : i32
      %add3A_171 = arith.addi %add3A_122, %add3A_170 : i32
      %dma_wait3A_172 = arith.constant 0 : i32
      %dma_wait3A_173 = arith.constant 0 : i32
      %dma_wait3A_174 = tpu.memref_slice %arg2[%dma_wait3A_172, %dma_wait3A_173] : memref<10000x136xf32, #tpu.memory_space<hbm>> -> memref<10000x136xf32, #tpu.memory_space<hbm>>
      tpu.wait_indirect_dma semaphore(%arg17 : memref<!tpu.dma_semaphore, #tpu.memory_space<semaphore_mem>>) src(%dma_wait3A_174 : memref<10000x136xf32, #tpu.memory_space<hbm>>) dst(%arg13 : memref<80x136xf32, #tpu.memory_space<vmem>>)
      %dma_wait3A_175 = arith.constant 0 : i32
      %dma_wait3A_176 = tpu.memref_slice %arg3[%add3A_6, %dma_wait3A_175] : memref<8000x80xi32, #tpu.memory_space<hbm>> -> memref<1x80xi32, #tpu.memory_space<hbm>>
      %dma_wait3A_177 = tpu.memref_squeeze %dma_wait3A_176 : memref<1x80xi32, #tpu.memory_space<hbm>> -> memref<80xi32, #tpu.memory_space<hbm>>
      %dma_wait3A_178 = arith.constant 0 : i32
      %dma_wait3A_179 = tpu.memref_slice %arg3[%add3A_6, %dma_wait3A_178] : memref<8000x80xi32, #tpu.memory_space<hbm>> -> memref<1x80xi32, #tpu.memory_space<hbm>>
      %dma_wait3A_180 = tpu.memref_squeeze %dma_wait3A_179 : memref<1x80xi32, #tpu.memory_space<hbm>> -> memref<80xi32, #tpu.memory_space<hbm>>
      tpu.wait_dma2 semaphore(%arg23 : memref<!tpu.dma_semaphore, #tpu.memory_space<semaphore_mem>>) src(%dma_wait3A_180 : memref<80xi32, #tpu.memory_space<hbm>>) dst(%arg10 : memref<80xi32, #tpu.memory_space<vmem>>)
      "tpu.region"() ({
        %run_scoped3A = tpu.sem_alloc : memref<!tpu.dma_semaphore, #tpu.memory_space<semaphore_mem>>
        %dma_start3A_195 = arith.constant 0 : i32
        %dma_start3A_196 = arith.constant 0 : i32
        %dma_start3A_197 = tpu.memref_slice %arg14[%dma_start3A_195, %dma_start3A_196] : memref<10000x136xf32, #tpu.memory_space<vmem_shared>> -> memref<10000x136xf32, #tpu.memory_space<vmem_shared>>
        tpu.enqueue_indirect_dma source(%arg13 : memref<80x136xf32, #tpu.memory_space<vmem>>) target(%dma_start3A_197 : memref<10000x136xf32, #tpu.memory_space<vmem_shared>>) offsets(%arg10 : memref<80xi32, #tpu.memory_space<vmem>>) semaphore(%run_scoped3A : memref<!tpu.dma_semaphore, #tpu.memory_space<semaphore_mem>>) {add = true}
        %dma_wait3A_198 = arith.constant 0 : i32
        %dma_wait3A_199 = arith.constant 0 : i32
        %dma_wait3A_200 = tpu.memref_slice %arg14[%dma_wait3A_198, %dma_wait3A_199] : memref<10000x136xf32, #tpu.memory_space<vmem_shared>> -> memref<10000x136xf32, #tpu.memory_space<vmem_shared>>
        tpu.wait_indirect_dma semaphore(%run_scoped3A : memref<!tpu.dma_semaphore, #tpu.memory_space<semaphore_mem>>) src(%arg13 : memref<80x136xf32, #tpu.memory_space<vmem>>) dst(%dma_wait3A_200 : memref<10000x136xf32, #tpu.memory_space<vmem_shared>>)
        tpu.yield
      }) : () -> ()
      %add3A_181 = arith.constant 3 : i32
      %add3A_182 = arith.addi %add3A_171, %add3A_181 : i32
      %lt3A_183 = arith.constant 125 : i32
      %lt3A_184 = arith.cmpi slt, %add3A_182, %lt3A_183 : i32
      %convert_element_type3A_185 = arith.extui %lt3A_184 : i1 to i32
      %cond3A_186 = arith.constant 0 : i32
      %cond3A_187 = arith.cmpi ne, %convert_element_type3A_185, %cond3A_186 : i32
      scf.if %cond3A_187 {
        %add3A_195 = arith.constant 3 : i32
        %add3A_196 = arith.addi %add3A_171, %add3A_195 : i32
        %add3A_197 = arith.addi %mul3A_2, %add3A_196 : i32
        %dma_start3A_198 = arith.constant 0 : i32
        %dma_start3A_199 = tpu.memref_slice %arg3[%add3A_197, %dma_start3A_198] : memref<8000x80xi32, #tpu.memory_space<hbm>> -> memref<1x80xi32, #tpu.memory_space<hbm>>
        %dma_start3A_200 = tpu.memref_squeeze %dma_start3A_199 : memref<1x80xi32, #tpu.memory_space<hbm>> -> memref<80xi32, #tpu.memory_space<hbm>>
        %dma_start3A_201 = arith.constant 0 : i32
        %dma_start3A_202 = tpu.memref_slice %arg3[%add3A_197, %dma_start3A_201] : memref<8000x80xi32, #tpu.memory_space<hbm>> -> memref<1x80xi32, #tpu.memory_space<hbm>>
        %dma_start3A_203 = tpu.memref_squeeze %dma_start3A_202 : memref<1x80xi32, #tpu.memory_space<hbm>> -> memref<80xi32, #tpu.memory_space<hbm>>
        tpu.enqueue_dma source(%dma_start3A_203 : memref<80xi32, #tpu.memory_space<hbm>>) target(%arg7 : memref<80xi32, #tpu.memory_space<vmem>>) target_semaphore(%arg20 : memref<!tpu.dma_semaphore, #tpu.memory_space<semaphore_mem>>)
        %add3A_204 = arith.constant 3 : i32
        %add3A_205 = arith.addi %add3A_171, %add3A_204 : i32
        %add3A_206 = arith.addi %add3A_6, %add3A_205 : i32
        %dma_start3A_207 = arith.constant 0 : i32
        %dma_start3A_208 = tpu.memref_slice %arg3[%add3A_206, %dma_start3A_207] : memref<8000x80xi32, #tpu.memory_space<hbm>> -> memref<1x80xi32, #tpu.memory_space<hbm>>
        %dma_start3A_209 = tpu.memref_squeeze %dma_start3A_208 : memref<1x80xi32, #tpu.memory_space<hbm>> -> memref<80xi32, #tpu.memory_space<hbm>>
        %dma_start3A_210 = arith.constant 0 : i32
        %dma_start3A_211 = tpu.memref_slice %arg3[%add3A_206, %dma_start3A_210] : memref<8000x80xi32, #tpu.memory_space<hbm>> -> memref<1x80xi32, #tpu.memory_space<hbm>>
        %dma_start3A_212 = tpu.memref_squeeze %dma_start3A_211 : memref<1x80xi32, #tpu.memory_space<hbm>> -> memref<80xi32, #tpu.memory_space<hbm>>
        tpu.enqueue_dma source(%dma_start3A_212 : memref<80xi32, #tpu.memory_space<hbm>>) target(%arg10 : memref<80xi32, #tpu.memory_space<vmem>>) target_semaphore(%arg23 : memref<!tpu.dma_semaphore, #tpu.memory_space<semaphore_mem>>)
      } else {
      }
      %add3A_188 = arith.constant 2 : i32
      %add3A_189 = arith.addi %add3A_171, %add3A_188 : i32
      %lt3A_190 = arith.constant 125 : i32
      %lt3A_191 = arith.cmpi slt, %add3A_189, %lt3A_190 : i32
      %convert_element_type3A_192 = arith.extui %lt3A_191 : i1 to i32
      %cond3A_193 = arith.constant 0 : i32
      %cond3A_194 = arith.cmpi ne, %convert_element_type3A_192, %cond3A_193 : i32
      scf.if %cond3A_194 {
        %dma_wait3A_195 = arith.constant 0 : i32
        %dma_wait3A_196 = tpu.memref_slice %arg3[%mul3A_2, %dma_wait3A_195] : memref<8000x80xi32, #tpu.memory_space<hbm>> -> memref<1x80xi32, #tpu.memory_space<hbm>>
        %dma_wait3A_197 = tpu.memref_squeeze %dma_wait3A_196 : memref<1x80xi32, #tpu.memory_space<hbm>> -> memref<80xi32, #tpu.memory_space<hbm>>
        %dma_wait3A_198 = arith.constant 0 : i32
        %dma_wait3A_199 = tpu.memref_slice %arg3[%mul3A_2, %dma_wait3A_198] : memref<8000x80xi32, #tpu.memory_space<hbm>> -> memref<1x80xi32, #tpu.memory_space<hbm>>
        %dma_wait3A_200 = tpu.memref_squeeze %dma_wait3A_199 : memref<1x80xi32, #tpu.memory_space<hbm>> -> memref<80xi32, #tpu.memory_space<hbm>>
        tpu.wait_dma2 semaphore(%arg19 : memref<!tpu.dma_semaphore, #tpu.memory_space<semaphore_mem>>) src(%dma_wait3A_200 : memref<80xi32, #tpu.memory_space<hbm>>) dst(%arg6 : memref<80xi32, #tpu.memory_space<vmem>>)
        %dma_start3A_201 = arith.constant 0 : i32
        %dma_start3A_202 = arith.constant 0 : i32
        %dma_start3A_203 = tpu.memref_slice %arg2[%dma_start3A_201, %dma_start3A_202] : memref<10000x136xf32, #tpu.memory_space<hbm>> -> memref<10000x136xf32, #tpu.memory_space<hbm>>
        tpu.enqueue_indirect_dma source(%dma_start3A_203 : memref<10000x136xf32, #tpu.memory_space<hbm>>) target(%arg12 : memref<80x136xf32, #tpu.memory_space<vmem>>) offsets(%arg6 : memref<80xi32, #tpu.memory_space<vmem>>) semaphore(%arg16 : memref<!tpu.dma_semaphore, #tpu.memory_space<semaphore_mem>>)
      } else {
      }
    }
    %scan3A_90 = arith.constant 41 : i32
    %dma_wait3A_91 = arith.constant 0 : i32
    %dma_wait3A_92 = arith.constant 0 : i32
    %dma_wait3A_93 = tpu.memref_slice %arg2[%dma_wait3A_91, %dma_wait3A_92] : memref<10000x136xf32, #tpu.memory_space<hbm>> -> memref<10000x136xf32, #tpu.memory_space<hbm>>
    tpu.wait_indirect_dma semaphore(%arg15 : memref<!tpu.dma_semaphore, #tpu.memory_space<semaphore_mem>>) src(%dma_wait3A_93 : memref<10000x136xf32, #tpu.memory_space<hbm>>) dst(%arg11 : memref<80x136xf32, #tpu.memory_space<vmem>>)
    %dma_wait3A_94 = arith.constant 0 : i32
    %dma_wait3A_95 = tpu.memref_slice %arg3[%add3A_6, %dma_wait3A_94] : memref<8000x80xi32, #tpu.memory_space<hbm>> -> memref<1x80xi32, #tpu.memory_space<hbm>>
    %dma_wait3A_96 = tpu.memref_squeeze %dma_wait3A_95 : memref<1x80xi32, #tpu.memory_space<hbm>> -> memref<80xi32, #tpu.memory_space<hbm>>
    %dma_wait3A_97 = arith.constant 0 : i32
    %dma_wait3A_98 = tpu.memref_slice %arg3[%add3A_6, %dma_wait3A_97] : memref<8000x80xi32, #tpu.memory_space<hbm>> -> memref<1x80xi32, #tpu.memory_space<hbm>>
    %dma_wait3A_99 = tpu.memref_squeeze %dma_wait3A_98 : memref<1x80xi32, #tpu.memory_space<hbm>> -> memref<80xi32, #tpu.memory_space<hbm>>
    tpu.wait_dma2 semaphore(%arg21 : memref<!tpu.dma_semaphore, #tpu.memory_space<semaphore_mem>>) src(%dma_wait3A_99 : memref<80xi32, #tpu.memory_space<hbm>>) dst(%arg8 : memref<80xi32, #tpu.memory_space<vmem>>)
    "tpu.region"() ({
      %run_scoped3A = tpu.sem_alloc : memref<!tpu.dma_semaphore, #tpu.memory_space<semaphore_mem>>
      %dma_start3A_118 = arith.constant 0 : i32
      %dma_start3A_119 = arith.constant 0 : i32
      %dma_start3A_120 = tpu.memref_slice %arg14[%dma_start3A_118, %dma_start3A_119] : memref<10000x136xf32, #tpu.memory_space<vmem_shared>> -> memref<10000x136xf32, #tpu.memory_space<vmem_shared>>
      tpu.enqueue_indirect_dma source(%arg11 : memref<80x136xf32, #tpu.memory_space<vmem>>) target(%dma_start3A_120 : memref<10000x136xf32, #tpu.memory_space<vmem_shared>>) offsets(%arg8 : memref<80xi32, #tpu.memory_space<vmem>>) semaphore(%run_scoped3A : memref<!tpu.dma_semaphore, #tpu.memory_space<semaphore_mem>>) {add = true}
      %dma_wait3A_121 = arith.constant 0 : i32
      %dma_wait3A_122 = arith.constant 0 : i32
      %dma_wait3A_123 = tpu.memref_slice %arg14[%dma_wait3A_121, %dma_wait3A_122] : memref<10000x136xf32, #tpu.memory_space<vmem_shared>> -> memref<10000x136xf32, #tpu.memory_space<vmem_shared>>
      tpu.wait_indirect_dma semaphore(%run_scoped3A : memref<!tpu.dma_semaphore, #tpu.memory_space<semaphore_mem>>) src(%arg11 : memref<80x136xf32, #tpu.memory_space<vmem>>) dst(%dma_wait3A_123 : memref<10000x136xf32, #tpu.memory_space<vmem_shared>>)
      tpu.yield
    }) : () -> ()
    %dma_wait3A_100 = arith.constant 0 : i32
    %dma_wait3A_101 = arith.constant 0 : i32
    %dma_wait3A_102 = tpu.memref_slice %arg2[%dma_wait3A_100, %dma_wait3A_101] : memref<10000x136xf32, #tpu.memory_space<hbm>> -> memref<10000x136xf32, #tpu.memory_space<hbm>>
    tpu.wait_indirect_dma semaphore(%arg16 : memref<!tpu.dma_semaphore, #tpu.memory_space<semaphore_mem>>) src(%dma_wait3A_102 : memref<10000x136xf32, #tpu.memory_space<hbm>>) dst(%arg12 : memref<80x136xf32, #tpu.memory_space<vmem>>)
    %dma_wait3A_103 = arith.constant 0 : i32
    %dma_wait3A_104 = tpu.memref_slice %arg3[%add3A_6, %dma_wait3A_103] : memref<8000x80xi32, #tpu.memory_space<hbm>> -> memref<1x80xi32, #tpu.memory_space<hbm>>
    %dma_wait3A_105 = tpu.memref_squeeze %dma_wait3A_104 : memref<1x80xi32, #tpu.memory_space<hbm>> -> memref<80xi32, #tpu.memory_space<hbm>>
    %dma_wait3A_106 = arith.constant 0 : i32
    %dma_wait3A_107 = tpu.memref_slice %arg3[%add3A_6, %dma_wait3A_106] : memref<8000x80xi32, #tpu.memory_space<hbm>> -> memref<1x80xi32, #tpu.memory_space<hbm>>
    %dma_wait3A_108 = tpu.memref_squeeze %dma_wait3A_107 : memref<1x80xi32, #tpu.memory_space<hbm>> -> memref<80xi32, #tpu.memory_space<hbm>>
    tpu.wait_dma2 semaphore(%arg22 : memref<!tpu.dma_semaphore, #tpu.memory_space<semaphore_mem>>) src(%dma_wait3A_108 : memref<80xi32, #tpu.memory_space<hbm>>) dst(%arg9 : memref<80xi32, #tpu.memory_space<vmem>>)
    "tpu.region"() ({
      %run_scoped3A = tpu.sem_alloc : memref<!tpu.dma_semaphore, #tpu.memory_space<semaphore_mem>>
      %dma_start3A_118 = arith.constant 0 : i32
      %dma_start3A_119 = arith.constant 0 : i32
      %dma_start3A_120 = tpu.memref_slice %arg14[%dma_start3A_118, %dma_start3A_119] : memref<10000x136xf32, #tpu.memory_space<vmem_shared>> -> memref<10000x136xf32, #tpu.memory_space<vmem_shared>>
      tpu.enqueue_indirect_dma source(%arg12 : memref<80x136xf32, #tpu.memory_space<vmem>>) target(%dma_start3A_120 : memref<10000x136xf32, #tpu.memory_space<vmem_shared>>) offsets(%arg9 : memref<80xi32, #tpu.memory_space<vmem>>) semaphore(%run_scoped3A : memref<!tpu.dma_semaphore, #tpu.memory_space<semaphore_mem>>) {add = true}
      %dma_wait3A_121 = arith.constant 0 : i32
      %dma_wait3A_122 = arith.constant 0 : i32
      %dma_wait3A_123 = tpu.memref_slice %arg14[%dma_wait3A_121, %dma_wait3A_122] : memref<10000x136xf32, #tpu.memory_space<vmem_shared>> -> memref<10000x136xf32, #tpu.memory_space<vmem_shared>>
      tpu.wait_indirect_dma semaphore(%run_scoped3A : memref<!tpu.dma_semaphore, #tpu.memory_space<semaphore_mem>>) src(%arg12 : memref<80x136xf32, #tpu.memory_space<vmem>>) dst(%dma_wait3A_123 : memref<10000x136xf32, #tpu.memory_space<vmem_shared>>)
      tpu.yield
    }) : () -> ()
    %barrier3A_109 = arith.constant 0 : index
    tpu.barrier barrier_id(%barrier3A_109)
    %mul3A_110 = arith.constant 624 : i32
    %mul3A_111 = arith.muli %arg1, %mul3A_110 : i32
    %multiple_of3A_112 = tpu.assume_multiple %mul3A_111, 8 : i32
    "tpu.region"() ({
      %run_scoped3A = tpu.sem_alloc : memref<!tpu.dma_semaphore, #tpu.memory_space<semaphore_mem>>
      %dma_start3A_118 = arith.constant 0 : i32
      %dma_start3A_119 = tpu.memref_slice %arg4[%arg0, %multiple_of3A_112, %dma_start3A_118] : memref<2x10000x136xf32, #tpu.memory_space<hbm>> -> memref<1x624x136xf32, #tpu.memory_space<hbm>>
      %dma_start3A_120 = tpu.memref_squeeze %dma_start3A_119 : memref<1x624x136xf32, #tpu.memory_space<hbm>> -> memref<624x136xf32, #tpu.memory_space<hbm>>
      %dma_start3A_121 = arith.constant 0 : i32
      %dma_start3A_122 = tpu.memref_slice %arg14[%multiple_of3A_112, %dma_start3A_121] : memref<10000x136xf32, #tpu.memory_space<vmem_shared>> -> memref<624x136xf32, #tpu.memory_space<vmem_shared>>
      tpu.enqueue_dma source(%dma_start3A_122 : memref<624x136xf32, #tpu.memory_space<vmem_shared>>) target(%dma_start3A_120 : memref<624x136xf32, #tpu.memory_space<hbm>>) target_semaphore(%run_scoped3A : memref<!tpu.dma_semaphore, #tpu.memory_space<semaphore_mem>>)
      %dma_wait3A_123 = arith.constant 0 : i32
      %dma_wait3A_124 = tpu.memref_slice %arg4[%arg0, %multiple_of3A_112, %dma_wait3A_123] : memref<2x10000x136xf32, #tpu.memory_space<hbm>> -> memref<1x624x136xf32, #tpu.memory_space<hbm>>
      %dma_wait3A_125 = tpu.memref_squeeze %dma_wait3A_124 : memref<1x624x136xf32, #tpu.memory_space<hbm>> -> memref<624x136xf32, #tpu.memory_space<hbm>>
      %dma_wait3A_126 = arith.constant 0 : i32
      %dma_wait3A_127 = tpu.memref_slice %arg14[%multiple_of3A_112, %dma_wait3A_126] : memref<10000x136xf32, #tpu.memory_space<vmem_shared>> -> memref<624x136xf32, #tpu.memory_space<vmem_shared>>
      tpu.wait_dma2 semaphore(%run_scoped3A : memref<!tpu.dma_semaphore, #tpu.memory_space<semaphore_mem>>) src(%dma_wait3A_127 : memref<624x136xf32, #tpu.memory_space<vmem_shared>>) dst(%dma_wait3A_125 : memref<624x136xf32, #tpu.memory_space<hbm>>)
      tpu.yield
    }) : () -> ()
    %eq3A_113 = arith.constant 15 : i32
    %eq3A_114 = arith.cmpi eq, %arg1, %eq3A_113 : i32
    %convert_element_type3A_115 = arith.extui %eq3A_114 : i1 to i32
    %cond3A_116 = arith.constant 0 : i32
    %cond3A_117 = arith.cmpi ne, %convert_element_type3A_115, %cond3A_116 : i32
    scf.if %cond3A_117 {
      "tpu.region"() ({
        %run_scoped3A = tpu.sem_alloc : memref<!tpu.dma_semaphore, #tpu.memory_space<semaphore_mem>>
        %dma_start3A_118 = arith.constant 9984 : i32
        %dma_start3A_119 = arith.constant 0 : i32
        %dma_start3A_120 = tpu.memref_slice %arg4[%arg0, %dma_start3A_118, %dma_start3A_119] : memref<2x10000x136xf32, #tpu.memory_space<hbm>> -> memref<1x16x136xf32, #tpu.memory_space<hbm>>
        %dma_start3A_121 = tpu.memref_squeeze %dma_start3A_120 : memref<1x16x136xf32, #tpu.memory_space<hbm>> -> memref<16x136xf32, #tpu.memory_space<hbm>>
        %dma_start3A_122 = arith.constant 9984 : i32
        %dma_start3A_123 = arith.constant 0 : i32
        %dma_start3A_124 = tpu.memref_slice %arg14[%dma_start3A_122, %dma_start3A_123] : memref<10000x136xf32, #tpu.memory_space<vmem_shared>> -> memref<16x136xf32, #tpu.memory_space<vmem_shared>>
        tpu.enqueue_dma source(%dma_start3A_124 : memref<16x136xf32, #tpu.memory_space<vmem_shared>>) target(%dma_start3A_121 : memref<16x136xf32, #tpu.memory_space<hbm>>) target_semaphore(%run_scoped3A : memref<!tpu.dma_semaphore, #tpu.memory_space<semaphore_mem>>)
        %dma_wait3A_125 = arith.constant 9984 : i32
        %dma_wait3A_126 = arith.constant 0 : i32
        %dma_wait3A_127 = tpu.memref_slice %arg4[%arg0, %dma_wait3A_125, %dma_wait3A_126] : memref<2x10000x136xf32, #tpu.memory_space<hbm>> -> memref<1x16x136xf32, #tpu.memory_space<hbm>>
        %dma_wait3A_128 = tpu.memref_squeeze %dma_wait3A_127 : memref<1x16x136xf32, #tpu.memory_space<hbm>> -> memref<16x136xf32, #tpu.memory_space<hbm>>
        %dma_wait3A_129 = arith.constant 9984 : i32
        %dma_wait3A_130 = arith.constant 0 : i32
        %dma_wait3A_131 = tpu.memref_slice %arg14[%dma_wait3A_129, %dma_wait3A_130] : memref<10000x136xf32, #tpu.memory_space<vmem_shared>> -> memref<16x136xf32, #tpu.memory_space<vmem_shared>>
        tpu.wait_dma2 semaphore(%run_scoped3A : memref<!tpu.dma_semaphore, #tpu.memory_space<semaphore_mem>>) src(%dma_wait3A_131 : memref<16x136xf32, #tpu.memory_space<vmem_shared>>) dst(%dma_wait3A_128 : memref<16x136xf32, #tpu.memory_space<hbm>>)
        tpu.yield
      }) : () -> ()
    } else {
    }
    return
  }
}

module attributes {stable_mosaic.version = 14 : i64} {
  func.func @_prep_body(%arg0: memref<10000x128xf32, #tpu.memory_space<vmem>>, %arg1: memref<1x128xf32, #tpu.memory_space<vmem>>, %arg2: memref<128x8xf32, #tpu.memory_space<vmem>>, %arg3: memref<8x128xf32, #tpu.memory_space<vmem>>, %arg4: memref<10000x136xf32, #tpu.memory_space<vmem>>) attributes {dimension_semantics = [], scalar_prefetch = 0 : i64, scratch_operands = 0 : i64, tpu.core_type = #tpu.core_type<tc>} {
    %get3A = arith.constant 0 : index
    %get3A_0 = arith.constant 0 : index
    %get3A_1 = vector.load %arg0[%get3A, %get3A_0] : memref<10000x128xf32, #tpu.memory_space<vmem>>, vector<10000x128xf32>
    %get3A_2 = arith.constant 0 : index
    %get3A_3 = arith.constant 0 : index
    %get3A_4 = vector.load %arg1[%get3A_2, %get3A_3] : memref<1x128xf32, #tpu.memory_space<vmem>>, vector<1x128xf32>
    %get3A_5 = arith.constant 0 : index
    %get3A_6 = arith.constant 0 : index
    %get3A_7 = vector.load %arg2[%get3A_5, %get3A_6] : memref<128x8xf32, #tpu.memory_space<vmem>>, vector<128x8xf32>
    %get3A_8 = arith.constant 0 : index
    %get3A_9 = arith.constant 0 : index
    %get3A_10 = vector.load %arg3[%get3A_8, %get3A_9] : memref<8x128xf32, #tpu.memory_space<vmem>>, vector<8x128xf32>
    %mul3A = vector.broadcast %get3A_4 : vector<1x128xf32> to vector<10000x128xf32>
    %mul3A_11 = arith.mulf %get3A_1, %mul3A : vector<10000x128xf32>
    %dot_general3A = arith.constant dense<0.000000e+00> : vector<10000x8xf32>
    %dot_general3A_12 = tpu.matmul %mul3A_11, %get3A_7, %dot_general3A {dimension_numbers = #tpu.dot_dimension_numbers<[1], [0], [0], [1], [0, 0, 1, 1], [], []>, precision = #tpu.contract_precision<fp32>, transpose_lhs_hint = false} : vector<10000x128xf32>, vector<128x8xf32>, vector<10000x8xf32> -> vector<10000x8xf32>
    %gt3A = arith.constant 0.000000e+00 : f32
    %gt3A_13 = vector.broadcast %gt3A : f32 to vector<10000x8xf32>
    %gt3A_14 = arith.cmpf ogt, %dot_general3A_12, %gt3A_13 : vector<10000x8xf32>
    %mul3A_15 = arith.constant 2.000000e-01 : f32
    %mul3A_16 = vector.broadcast %mul3A_15 : f32 to vector<10000x8xf32>
    %mul3A_17 = arith.mulf %mul3A_16, %dot_general3A_12 : vector<10000x8xf32>
    %select_n3A = arith.select %gt3A_14, %dot_general3A_12, %mul3A_17 : vector<10000x8xi1>, vector<10000x8xf32>
    %reduce_max3A = vector.shape_cast %select_n3A : vector<10000x8xf32> to vector<1x10000x8xf32>
    %reduce_max3A_18 = arith.constant dense<0xFF800000> : vector<1xf32>
    %reduce_max3A_19 = vector.multi_reduction <maximumf>, %reduce_max3A, %reduce_max3A_18 [1, 2] : vector<1x10000x8xf32> to vector<1xf32>
    %reduce_max3A_20 = vector.shape_cast %reduce_max3A_19 : vector<1xf32> to vector<1x1x1xf32>
    %reduce_max3A_21 = vector.extract %reduce_max3A_20[0, 0, 0] : f32 from vector<1x1x1xf32>
    %sub3A = vector.broadcast %reduce_max3A_21 : f32 to vector<10000x8xf32>
    %sub3A_22 = arith.subf %select_n3A, %sub3A : vector<10000x8xf32>
    %exp3A = math.exp %sub3A_22 : vector<10000x8xf32>
    %dot_general3A_23 = arith.constant dense<0.000000e+00> : vector<10000x128xf32>
    %dot_general3A_24 = tpu.matmul %exp3A, %get3A_10, %dot_general3A_23 {dimension_numbers = #tpu.dot_dimension_numbers<[1], [0], [0], [1], [0, 0, 1, 1], [], []>, precision = #tpu.contract_precision<fp32>, transpose_lhs_hint = false} : vector<10000x8xf32>, vector<8x128xf32>, vector<10000x128xf32> -> vector<10000x128xf32>
    %mul3A_25 = arith.mulf %get3A_1, %dot_general3A_24 : vector<10000x128xf32>
    %concatenate3A = tpu.concatenate %mul3A_25, %exp3A in 1 : vector<10000x128xf32>, vector<10000x8xf32> -> vector<10000x136xf32>
    %swap3A = arith.constant 0 : index
    %swap3A_26 = arith.constant 0 : index
    %swap3A_27 = vector.load %arg4[%swap3A, %swap3A_26] : memref<10000x136xf32, #tpu.memory_space<vmem>>, vector<10000x136xf32>
    tpu.vector_store %arg4[%swap3A, %swap3A_26], %concatenate3A {strides = array<i32>} : memref<10000x136xf32, #tpu.memory_space<vmem>>, vector<10000x136xf32>,
    return
  }
}

module attributes {stable_mosaic.version = 14 : i64} {
  func.func @_final_body(%arg0: memref<2x10000x136xf32, #tpu.memory_space<vmem>>, %arg1: memref<8x128xf32, #tpu.memory_space<vmem>>, %arg2: memref<10000x128xf32, #tpu.memory_space<vmem>>) attributes {dimension_semantics = [], scalar_prefetch = 0 : i64, scratch_operands = 0 : i64, tpu.core_type = #tpu.core_type<tc>} {
    %get3A = arith.constant 0 : index
    %get3A_0 = arith.constant 0 : index
    %get3A_1 = arith.constant 0 : index
    %get3A_2 = vector.load %arg0[%get3A, %get3A_0, %get3A_1] : memref<2x10000x136xf32, #tpu.memory_space<vmem>>, vector<1x10000x136xf32>
    %get3A_3 = vector.shape_cast %get3A_2 : vector<1x10000x136xf32> to vector<10000x136xf32>
    %get3A_4 = arith.constant 1 : index
    %get3A_5 = arith.constant 0 : index
    %get3A_6 = arith.constant 0 : index
    %get3A_7 = vector.load %arg0[%get3A_4, %get3A_5, %get3A_6] : memref<2x10000x136xf32, #tpu.memory_space<vmem>>, vector<1x10000x136xf32>
    %get3A_8 = vector.shape_cast %get3A_7 : vector<1x10000x136xf32> to vector<10000x136xf32>
    %add3A = arith.addf %get3A_3, %get3A_8 : vector<10000x136xf32>
    %slice3A = vector.extract_strided_slice %add3A {offsets = [0, 0], sizes = [10000, 128], strides = [1, 1]} : vector<10000x136xf32> to vector<10000x128xf32>
    %slice3A_9 = vector.extract_strided_slice %add3A {offsets = [0, 128], sizes = [10000, 8], strides = [1, 1]} : vector<10000x136xf32> to vector<10000x8xf32>
    %get3A_10 = arith.constant 0 : index
    %get3A_11 = arith.constant 0 : index
    %get3A_12 = vector.load %arg1[%get3A_10, %get3A_11] : memref<8x128xf32, #tpu.memory_space<vmem>>, vector<8x128xf32>
    %dot_general3A = arith.constant dense<0.000000e+00> : vector<10000x128xf32>
    %dot_general3A_13 = tpu.matmul %slice3A_9, %get3A_12, %dot_general3A {dimension_numbers = #tpu.dot_dimension_numbers<[1], [0], [0], [1], [0, 0, 1, 1], [], []>, precision = #tpu.contract_precision<fp32>, transpose_lhs_hint = false} : vector<10000x8xf32>, vector<8x128xf32>, vector<10000x128xf32> -> vector<10000x128xf32>
    %gt3A = arith.constant 0.000000e+00 : f32
    %gt3A_14 = vector.broadcast %gt3A : f32 to vector<10000x128xf32>
    %gt3A_15 = arith.cmpf ogt, %dot_general3A_13, %gt3A_14 : vector<10000x128xf32>
    %div3A = arith.divf %slice3A, %dot_general3A_13 : vector<10000x128xf32>
    %jit3A = arith.constant 0.000000e+00 : f32
    %broadcast_in_dim3A = vector.broadcast %jit3A : f32 to vector<10000x128xf32>
    %select_n3A = arith.select %gt3A_15, %div3A, %broadcast_in_dim3A : vector<10000x128xi1>, vector<10000x128xf32>
    %swap3A = arith.constant 0 : index
    %swap3A_16 = arith.constant 0 : index
    %swap3A_17 = vector.load %arg2[%swap3A, %swap3A_16] : memref<10000x128xf32, #tpu.memory_space<vmem>>, vector<10000x128xf32>
    tpu.vector_store %arg2[%swap3A, %swap3A_16], %select_n3A {strides = array<i32>} : memref<10000x128xf32, #tpu.memory_space<vmem>>, vector<10000x128xf32>,
    return
  }
}

</mosaic_0001>

<sc_bundles>
// kernel: kernel.5.cloned.1.call-start
scs
__scs_entry_jumppad:
0x0: {  	(pc) =	sbr.rel $0x88, $3  }
0x1: {  	(tag) =	ssettag $0x0;
	lr =	simm.s32 $0x1  }
0x2: {  	[smem:$0x3F9E] =	sst lr;
	_ =	strace $0xD0000000  }
0x3: {  	_ = 	snop  }
0x4: {  	_ = 	snop  }
0x5: {  	_ = 	snop  }
0x6: {  	_ = 	snop  }
0x7: {  	_ = 	snop  }
__scs_overlays_trampoline_lowered:
0x8: {  	[smem:$0x3FAD] =	sst s0  }
0x9: {  	[smem:$0x3FAE] =	sst s1  }
0xa: {  	[smem:$0x3FAF] =	sst s2  }
0xb: {  	[smem:$0x3FB0] =	sst s3  }
0xc: {  	[smem:$0x3FB1] =	sst s4  }
0xd: {  	[smem:$0x3FB2] =	sst s5  }
0xe: {  	[smem:$0x3FB3] =	sst s6  }
0xf: {  	[smem:$0x3FB4] =	sst s7  }
0x10: {  	[smem:$0x3FB5] =	sst s8  }
0x11: {  	[smem:$0x3FB6] =	sst s9;
	s0 =	simm.s32 @!p0 $0x0  }
0x12: {  	s1 =	sld [smem:$0x3F9C];
	s0 =	simm.s32 @p0 $0x1  }
0x13: {  	[smem:$0x3FB7] =	sst s0;
	s0 =	simm.s32 @!p1 $0x0  }
0x14: {  	s2 =	sld [smem:$0x3F9B];
	s0 =	simm.s32 @p1 $0x1  }
0x15: {  	[smem:$0x3FB8] =	sst s0;
	s0 =	simm.s32 @!p2 $0x0  }
0x16: {  	s3 =	sld [smem:$0x3FDB];
	s0 =	simm.s32 @p2 $0x1  }
0x17: {  	s4 =	simm.s32 $0x1BF5;
	[smem:$0x3FBA] =	sst s0  }
0x18: {  	s0 =	sld [smem:$0x3F9D];
	_ =	swait.ge [sflag:s4], $0x0  }
0x19: {  	s7 =	sld [smem:$0x3F9E]  }
0x1a: {  	s8 =	sadd.s32 $0xFFFFE003, lr  }
0x1b: {  	s9 =	sadd.s32 $0xFFFFFEF7, lr;
	s5 =	simm.s32 $0xFFFFFFFF;
	p2 =	slt.u32 s8, $0xFFFFF086  }
0x1c: {  	p1 =	slt.u32 s9, $0xF7A;
	s5 =	simm.s32 @!p2 $0x0  }
0x1d: {  	s5 =	simm.s32 @p1 $0x1;
	p0 =	seq.s32 s7, s2  }
0x1e: {  	s7 =	smul.u32 @!p0 $0xF7A, s2;
	p2 =	seq.s32 @!p0 s5, $0x0  }
0x1f: {  	s9 =	smul.u32 $0xF7A, s1;
	s8 =	simm.s32 @!p0 $0x1BF5;
	p2 =	por !p2, p0  }
0x20: {  	[sflag:s8] =	ssyncset.s32 @!p0 $0xFFFFF086;
	s6 =	sadd.s32 @!p0 s3, s7;
	s7 =	simm.s32 @!p0 $0x108  }
0x21: {  	s3 =	sadd.s32 s3, s9;
	s6 =	sadd.s32 @!p0 $0x88, s6;
	s7 =	simm.s32 @p2 $0x1082  }
0x22: {  	[simem:s7], [sflag:s8] =	dma.local @!p0 [hbm:s6], $0xF7A  }
0x23: {  	s9 =	sor.u32 $0xD0000000, s2;
	s6 =	simm.s32 $0x108;
	_ =	swait.ge @!p0 [sflag:s8], $0x0  }
0x24: {  	s3 =	sadd.s32 $0x88, s3;
	s6 =	simm.s32 @!p1 $0x1082;
	[sflag:s4] =	ssyncset.s32 $0xFFFFF086  }
0x25: {  	[simem:s6], [sflag:s4] =	dma.local [hbm:s3], $0xF7A  }
0x26: {  	[smem:$0x3F9E] =	sst s1;
	(tag) =	ssettag s2;
	_ =	strace s9  }
0x27: {  	s1 =	sld [smem:$0x3FAE]  }
0x28: {  	s2 =	sld [smem:$0x3FAF]  }
0x29: {  	s4 =	sld [smem:$0x3FB1]  }
0x2a: {  	p0 =	seq.s32 s5, $0x0;
	s5 =	sld [smem:$0x3FB2]  }
0x2b: {  	s6 =	sld [smem:$0x3FB3]  }
0x2c: {  	s7 =	sld [smem:$0x3FB4]  }
0x2d: {  	s3 =	simm.s32 $0x108;
	s8 =	sld [smem:$0x3FB5]  }
0x2e: {  	s3 =	simm.s32 @!p0 $0x1082;
	s9 =	sld [smem:$0x3FB6]  }
0x2f: {  	lr =	sadd.s32 s0, s3;
	s0 =	sld [smem:$0x3FAD]  }
0x30: {  	s3 =	sld [smem:$0x3FB0]  }
0x31: {  	[smem:$0x3FB9] =	sst s10  }
0x32: {  	s10 =	sld [smem:$0x3FB7];
	_ =	sdelay $0x3  }
0x33: {  	p0 =	seq.s32 s10, $0x1;
	s10 =	sld [smem:$0x3FB9];
	_ =	sdelay $0x3  }
0x34: {  	[smem:$0x3FB9] =	sst s10  }
0x35: {  	s10 =	sld [smem:$0x3FB8];
	_ =	sdelay $0x3  }
0x36: {  	p1 =	seq.s32 s10, $0x1;
	s10 =	sld [smem:$0x3FB9];
	_ =	sdelay $0x3  }
0x37: {  	[smem:$0x3FB9] =	sst s10  }
0x38: {  	s10 =	sld [smem:$0x3FBA]  }
0x39: {  	_ = 	snop;
	(pc) =	sbr.ind lr, $3  }
0x3a: {  	_ = 	snop  }
0x3b: {  	_ = 	snop  }
0x3c: {  	p2 =	seq.s32 s10, $0x1;
	s10 =	sld [smem:$0x3FB9]  }
0x3d: {  	_ =	shalt  }
0x3e: {  	_ =	shalt  }
0x3f: {  	_ =	shalt  }
0x40: {  	_ =	shalt  }
0x41: {  	_ =	shalt  }
0x42: {  	_ =	shalt  }
0x43: {  	_ =	shalt  }
0x44: {  	_ =	shalt  }
0x45: {  	_ =	shalt  }
0x46: {  	_ =	shalt  }
0x47: {  	_ =	shalt  }
0x48: {  	_ =	shalt  }
0x49: {  	_ =	shalt  }
0x4a: {  	_ =	shalt  }
0x4b: {  	_ =	shalt  }
0x4c: {  	_ =	shalt  }
0x4d: {  	_ =	shalt  }
0x4e: {  	_ =	shalt  }
0x4f: {  	_ =	shalt  }
0x50: {  	_ =	shalt  }
0x51: {  	_ =	shalt  }
0x52: {  	_ =	shalt  }
0x53: {  	_ =	shalt  }
0x54: {  	_ =	shalt  }
0x55: {  	_ =	shalt  }
0x56: {  	_ =	shalt  }
0x57: {  	_ =	shalt  }
0x58: {  	_ =	shalt  }
0x59: {  	_ =	shalt  }
0x5a: {  	_ =	shalt  }
0x5b: {  	_ =	shalt  }
0x5c: {  	_ =	shalt  }
0x5d: {  	_ =	shalt  }
0x5e: {  	_ =	shalt  }
0x5f: {  	_ =	shalt  }
0x60: {  	_ =	shalt  }
0x61: {  	_ =	shalt  }
0x62: {  	_ =	shalt  }
0x63: {  	_ =	shalt  }
0x64: {  	_ =	shalt  }
0x65: {  	_ =	shalt  }
0x66: {  	_ =	shalt  }
0x67: {  	_ =	shalt  }
0x68: {  	_ =	shalt  }
0x69: {  	_ =	shalt  }
0x6a: {  	_ =	shalt  }
0x6b: {  	_ =	shalt  }
0x6c: {  	_ =	shalt  }
0x6d: {  	_ =	shalt  }
0x6e: {  	_ =	shalt  }
0x6f: {  	_ =	shalt  }
0x70: {  	_ =	shalt  }
0x71: {  	_ =	shalt  }
0x72: {  	_ =	shalt  }
0x73: {  	_ =	shalt  }
0x74: {  	_ =	shalt  }
0x75: {  	_ =	shalt  }
0x76: {  	_ =	shalt  }
0x77: {  	_ =	shalt  }
0x78: {  	_ =	shalt  }
0x79: {  	_ =	shalt  }
0x7a: {  	_ =	shalt  }
0x7b: {  	_ =	shalt  }
0x7c: {  	_ =	shalt  }
0x7d: {  	_ =	shalt  }
0x7e: {  	_ =	shalt  }
0x7f: {  	_ =	shalt  }
0x80: {  	_ =	shalt  }
0x81: {  	_ =	shalt  }
0x82: {  	_ =	shalt  }
0x83: {  	_ =	shalt  }
0x84: {  	_ =	shalt  }
0x85: {  	_ =	shalt  }
0x86: {  	_ =	shalt  }
0x87: {  	_ =	shalt  }
.Lfunc_end0:
.L_simem_size_0:
called_computation_lowered:
.L_overlay_start_0:
0x88: {  	s2 =	sld [smem:$0x3FD9]  }
0x89: {  	s3 =	sld [smem:$0x3FFE];
	_ =	sdelay $0x1  }
0x8a: {  	s1 =	srdreg.scid  }
0x8b: {  	s0 =	sand.u32 $0x1, s1  }
0x8c: {  	s17 =	sshll.u32 s0, $0xA;
	s2 =	sadd.s32 s3, s2  }
0x8d: {  	s2 =	sadd.s32 s2, s17  }
0x8e: {  	[smem:$0x3FC5] =	sst s2  }
0x8f: {  	_ = 	snop  }
0x90: {  	s2 =	sld [smem:$0x3FD0];
	(tm) =	ssettm $0x1  }
0x91: {  	s18 =	sld [smem:$0x3FFB];
	_ =	sdelay $0x3  }
0x92: {  	_ =	strace s18  }
0x93: {  	s3 =	sld [smem:$0x3FFC];
	_ =	sdelay $0x3  }
0x94: {  	_ =	strace s3  }
0x95: {  	s3 =	sld [smem:$0x3FFD];
	_ =	sdelay $0x3  }
0x96: {  	_ =	strace s3  }
0x97: {  	_ =	strace $0x8FFFFFFF  }
0x98: {  	s19 =	sld [smem:$0x3FDB];
	_ =	sdelay $0x1  }
0x99: {  	s4 =	simm.s32 $_scs_section_size  }
0x9a: {  	s5 =	simm.s32 $_size__tile_overlayer_lowered;
	s6 =	simm.s32 $_tile_overlayer_lowered  }
0x9b: {  	s22 =	simm.s32 $0x1BFF;
	s21 =	sshll.u32 s6, $0x1;
	s3 =	sadd.s32 s4, s19  }
0x9c: {  	s7 =	simm.s32 $0x0;
	s20 =	sshll.u32 s5, $0x1;
	s5 =	sadd.s32 s21, s3  }
0x9d: {  	[timem:s7], [sflag:s22] =	dma.local [hbm:s5], s20  }
0x9e: {  	_ =	swait.ge [sflag:s22], s20  }
0x9f: {  	s4 =	ssub.s32 $0x0, s20;
	[sflag:s22] =	ssyncset.done $0x0  }
0xa0: {  	[sflag:s22] =	ssyncadd.s32 s4;
	_ =	sdelay $0x1  }
0xa1: {  	s23 =	simm.s32 $0x1B8B  }
0xa2: {  	_ =	swait.ge [sflag:s23], $0x1  }
0xa3: {  	[sflag:s23] =	ssyncset.done $0x0  }
0xa4: {  	s25 =	simm.s32 $0x1B8E;
	s24 =	sld [smem:$0x3FFE];
	[sflag:s23] =	ssyncadd.s32 $0xFFFFFFFF  }
0xa5: {  	s26 =	simm.s32 $execute0_lowered;
	[smem:$0x3FD2] =	sst s25  }
0xa6: {  	s5 =	sshll.u32 s26, $0x1;
	_ =	strace $0x80000046;
	[dreg:$0x1] =	wrdreg $0xFFFFFFFF  }
0xa7: {  	s28 =	simm.s32 $_size_execute0_lowered;
	s3 =	sadd.s32 s3, s5;
	[dreg:$0x0] =	wrdreg $0x0  }
0xa8: {  	s5 =	sshll.u32 s28, $0x1;
	[dreg:$0x2] =	wrdreg s3  }
0xa9: {  	[dreg:$0x3] =	wrdreg s5  }
0xaa: {  	[dreg:$0x4] =	wrdreg $0xC0  }
0xab: {  	_ =	task [dreg:s7], $0x5FFFF  }
0xac: {  	[dreg:$0x1] =	wrdreg $0xFFFFFFFF  }
0xad: {  	[dreg:$0x0] =	wrdreg $0x60  }
0xae: {  	[dreg:$0x2] =	wrdreg s24  }
0xaf: {  	[dreg:$0x3] =	wrdreg s2  }
0xb0: {  	[dreg:$0x4] =	wrdreg $0x81600  }
0xb1: {  	[dreg:$0x5] =	wrdreg $0x9  }
0xb2: {  	_ =	task.clear_ibuf [dreg:s7], $0x6FFFF;
	_ =	strace $0x90000046  }
0xb3: {  	s29 =	simm.s32 $0x9;
	_ =	strace $0x80000048  }
0xb4: {  	_ =	swait.ge [sflag:s29], $0x1  }
0xb5: {  	[sflag:s29] =	ssyncadd.s32 $0xFFFFFFFF  }
0xb6: {  	_ =	strace $0x90000048  }
0xb7: {  	_ =	sfence  }
0xb8: {  	s30 =	sld [smem:$0x0];
	_ =	sdelay $0x2  }
0xb9: {  	s31 =	sshll.u32 s1, $0xD;
	s1 =	sshrl.u32 s1, $0x2  }
0xba: {  	s3 =	sand.u32 $0x4000, s31;
	s1 =	sadd.s32 s1, s30  }
0xbb: {  	s0 =	sor.u32 s3, s0;
	s1 =	sshll.u32 s1, $0x11  }
0xbc: {  	s0 =	sor.u32 s1, s0  }
0xbd: {  	s0 =	sadd.s32 $0x8F2B, s0  }
0xbe: {  	[sflag:s0] =	ssyncadd.remote.s32 $0x1  }
0xbf: {  	_ =	sfence.sel $0xFFFF  }
0xc0: {  	[dreg:$0x0] =	wrdreg $0xFFFFFFFF;
	(pc) =	sbr.abs _section_cstart, $3  }
0xc1: {  	[dreg:$0x1] =	wrdreg $0xFFFFFFFF  }
0xc2: {  	_ =	task.clear_ibuf [dreg:s7], $0x2FFFF;
	_ =	strace $0x9FFFFFFF  }
0xc3: {  	(tm) =	ssettm $0x7FFFFFFF  }
tec
execute0_lowered:
.L_overlay_start_1:
0x0: {  	(tag) =	ssettag $0x1  }
0x1: {  	s0 =	rddreg [dreg:$0x0]  }
0x2: {  	s1 =	rddreg [dreg:$0x1]  }
0x3: {  	s3 =	srdreg.scid;
	s12 =	stileid.u32  }
0x4: {  	s2 =	rddreg [dreg:$0x2];
	s28 =	simm.s32 $0x140;
	s29 =	simm.s32 $0xA0  }
0x5: {  	s30 =	simm.s32 $0x190;
	s31 =	simm.s32 $0x1E0;
	s24 =	smul.u32 $0x52E00, s12  }
0x6: {  	s5 =	sand.u32 $0x1, s3;
	s4 =	sshll.u32 s12, $0x1;
	s20 =	smul.u32 $0x9C4, s12  }
0x7: {  	s3 =	simm.s32 $0x0;
	s4 =	sor.u32 s5, s4;
	s26 =	smul.u32 $0x14C080, s5  }
0x8: {  	p0 =	sne.s32 s12, $0xF;
	s6 =	ssub.s32 $0x2, s5;
	s7 =	smul.u32 $0x4E2, s4  }
0x9: {  	[smem:$0x7FF] =	sst s3;
	s8 =	sshrl.u32 s6, $0x1;
	s9 =	smul.u32 $0x2710, s4  }
0xa: {  	_ =	strace $0x80000047;
	s6 =	ssub.s32 s6, s8;
	s10 =	sadd.s32 s1, s7  }
0xb: {  	s23 =	sshrl.u32 s9, $0x3;
	s19 =	smax.u32 s6, $0x1;
	[dreg:$0x4] =	wrdreg s10  }
0xc: {  	s25 =	sadd.s32 $0x9C40, s10;
	s7 =	sadd.s32 s1, s23;
	[dreg:$0xd] =	wrdreg s19  }
0xd: {  	s5 =	smul.u32 $0x4E2, s5;
	[dreg:$0x5] =	wrdreg s25;
	s11 =	sadd.s32 $0xA, s7  }
0xe: {  	s4 =	sadd.s32 $0x600, s0;
	s13 =	sadd.s32 $0x9C4A, s7;
	[dreg:$0x6] =	wrdreg s11  }
0xf: {  	s8 =	sshrl.u32 s24, $0x2;
	s14 =	sadd.s32 $0x14, s7;
	[dreg:$0x7] =	wrdreg s13  }
0x10: {  	s10 =	sadd.s32 s8, s2;
	s7 =	sadd.s32 $0x9C54, s7;
	[dreg:$0x8] =	wrdreg s14  }
0x11: {  	s0 =	sadd.s32 $0x2A000, s0;
	s15 =	sadd.s32 $0x12980, s10;
	[dreg:$0x9] =	wrdreg s7  }
0x12: {  	s17 =	sshrl.u32 s26, $0x3;
	s21 =	sadd.s32 $0x2A80, s10;
	[dreg:$0xa] =	wrdreg s15  }
0x13: {  	s6 =	simm.s32 $0x5;
	s22 =	sadd.s32 $0x5500, s10;
	[dreg:$0xe] =	wrdreg s21  }
0x14: {  	s9 =	simm.s32 $0x7;
	s23 =	sadd.s32 $0x7F80, s10;
	[dreg:$0xf] =	wrdreg s22  }
0x15: {  	s8 =	simm.s32 $0x1;
	s24 =	sadd.s32 $0xAA00, s10;
	[dreg:$0x10] =	wrdreg s23  }
0x16: {  	s25 =	sadd.s32 $0xD480, s10;
	s11 =	smul.u32 $0x14B80, s12;
	[dreg:$0x11] =	wrdreg s24  }
0x17: {  	s13 =	sadd.s32 $0x14B800, s2;
	[dreg:$0x12] =	wrdreg s25;
	s24 =	simm.s32 $0xF0  }
0x18: {  	s12 =	simm.s32 $0x2;
	s14 =	simm.s32 $0x8;
	s15 =	simm.s32 $0x3  }
0x19: {  	s16 =	sadd.s32 s11, s26;
	s18 =	sadd.s32 s11, s2;
	s26 =	sadd.s32 $0xFF00, s10  }
0x1a: {  	s11 =	simm.s32 $0x56E0;
	s7 =	sshrl.u32 s16, $0x3;
	[dreg:$0x13] =	wrdreg s26  }
0x1b: {  	s25 =	sshrl.u32 s18, $0x3;
	s26 =	simm.s32 $0x50;
	s16 =	simm.s32 $0x9  }
0x1c: {  	s7 =	sadd.s32 s0, s7;
	s0 =	sadd.s32 s0, s17;
	s17 =	simm.s32 $0x0  }
0x1d: {  	[dreg:$0xb] =	wrdreg s7;
	s0 =	sadd.s32 $0x29700, s0;
	s7 =	simm.s32 $0x2C60  }
0x1e: {  	[dreg:$0xc] =	wrdreg s0;
	s0 =	sadd.s32 s20, s1;
	s1 =	simm.s32 $0xA  }
0x1f: {  	v0 =	vimm.f32 $0.0e+00;
	s23 =	sadd.s32 s5, s0;
	s0 =	simm.s32 $0x4;
	s5 =	simm.s32 $0x6  }
.LBB2_1:
0x20: {  	s18 =	rddreg [dreg:$0x4]  }
0x21: {  	[tilespmem:s3], [sflag:$0x4] =	stream.linear.gather [hbm4b:s18+s3], $0x50, $0x38;
	[tilespmem:$0x1CD68] =	vst v63  }
0x22: {  	s22 =	rddreg [dreg:$0x5]  }
0x23: {  	[tilespmem:s24], [sflag:$0x7] =	stream.linear.gather [hbm4b:s22+s3], $0x50, $0x38;
	[tilespmem:$0x1CD68] =	vst v63  }
0x24: {  	s19 =	rddreg [dreg:$0x6]  }
0x25: {  	[tilespmem:s26], [sflag:$0x5] =	stream.linear.gather [hbm4b:s19+s3], $0x50, $0x38;
	[tilespmem:$0x1CD68] =	vst v63  }
0x26: {  	s20 =	rddreg [dreg:$0x7]  }
0x27: {  	[tilespmem:s28], [sflag:$0x8] =	stream.linear.gather [hbm4b:s20+s3], $0x50, $0x38;
	[tilespmem:$0x1CD68] =	vst v63  }
0x28: {  	s21 =	rddreg [dreg:$0x8]  }
0x29: {  	[tilespmem:s29], [sflag:$0x6] =	stream.linear.gather [hbm4b:s21+s3], $0x50, $0x38;
	[tilespmem:$0x1CD68] =	vst v63  }
0x2a: {  	s18 =	simm.s32 $0x0;
	s22 =	rddreg [dreg:$0x9]  }
0x2b: {  	[tilespmem:s30], [sflag:$0x9] =	stream.linear.gather [hbm4b:s22+s3], $0x50, $0x38;
	[tilespmem:$0x1CD68] =	vst v63  }
0x2c: {  	s19 =	simm.s32 $0x220;
	[tilespmem:s18+$0x250] =	vst v0  }
.LBB2_2:
0x2d: {  	p1 =	sne.s32 s19, $0xA7E0;
	[tilespmem:s18+$0x258] =	vst v0  }
0x2e: {  	[tilespmem:s18+$0x1E0] =	vst v0  }
0x2f: {  	[tilespmem:s18+$0x1F0] =	vst v0  }
0x30: {  	[tilespmem:s18+$0x200] =	vst v0  }
.Ltmp0:
0x31: {  	[tilespmem:s18+$0x210] =	vst v0;
	(pc) =	sbr.rel @p1 .LBB2_2-.Ltmp0, $4  }
0x32: {  	[tilespmem:s18+$0x220] =	vst v0  }
0x33: {  	[tilespmem:s18+$0x230] =	vst v0  }
0x34: {  	[tilespmem:s18+$0x240] =	vst v0;
	s18 =	sshra.s32 s19, $0x2  }
0x35: {  	s19 =	sadd.s32 $0x220, s19;
	[tilespmem:s18+$0x250] =	vst v0  }
0x36: {  	[tilespmem:s18+$0x258] =	vst v0  }
0x37: {  	[tilespmem:s18+$0x1E0] =	vst v0  }
0x38: {  	[tilespmem:s18+$0x1F0] =	vst v0  }
0x39: {  	[tilespmem:s18+$0x200] =	vst v0  }
0x3a: {  	[tilespmem:s18+$0x210] =	vst v0  }
0x3b: {  	[tilespmem:s18+$0x220] =	vst v0  }
0x3c: {  	[tilespmem:s18+$0x230] =	vst v0  }
0x3d: {  	[tilespmem:s18+$0x240] =	vst v0  }
0x3e: {  	[spmem:s10] =	stream.linear.scatter [tilespmem:s31], [sflag:$0xA], $0x2A80, $0x38;
	[tilespmem:$0x1CD68] =	vst v63  }
0x3f: {  	_ =	swait.ge [sflag:s1], $0x2A80  }
0x40: {  	[sflag:s1] =	ssyncset.done $0x0  }
0x41: {  	s20 =	rddreg [dreg:$0xe];
	[sflag:s1] =	ssyncadd.s32 $0xFFFFD580  }
0x42: {  	[spmem:s20] =	stream.linear.scatter [tilespmem:s31], [sflag:$0xA], $0x2A80, $0x38;
	[tilespmem:$0x1CD68] =	vst v63  }
0x43: {  	_ =	swait.ge [sflag:s1], $0x2A80  }
0x44: {  	[sflag:s1] =	ssyncset.done $0x0  }
0x45: {  	s21 =	rddreg [dreg:$0xf];
	[sflag:s1] =	ssyncadd.s32 $0xFFFFD580  }
0x46: {  	[spmem:s21] =	stream.linear.scatter [tilespmem:s31], [sflag:$0xA], $0x2A80, $0x38;
	[tilespmem:$0x1CD68] =	vst v63  }
0x47: {  	_ =	swait.ge [sflag:s1], $0x2A80  }
0x48: {  	[sflag:s1] =	ssyncset.done $0x0  }
0x49: {  	s22 =	rddreg [dreg:$0x10];
	[sflag:s1] =	ssyncadd.s32 $0xFFFFD580  }
0x4a: {  	[spmem:s22] =	stream.linear.scatter [tilespmem:s31], [sflag:$0xA], $0x2A80, $0x38;
	[tilespmem:$0x1CD68] =	vst v63  }
0x4b: {  	_ =	swait.ge [sflag:s1], $0x2A80  }
0x4c: {  	[sflag:s1] =	ssyncset.done $0x0  }
0x4d: {  	s19 =	rddreg [dreg:$0x11];
	[sflag:s1] =	ssyncadd.s32 $0xFFFFD580  }
0x4e: {  	[spmem:s19] =	stream.linear.scatter [tilespmem:s31], [sflag:$0xA], $0x2A80, $0x38;
	[tilespmem:$0x1CD68] =	vst v63  }
0x4f: {  	_ =	swait.ge [sflag:s1], $0x2A80  }
0x50: {  	[sflag:s1] =	ssyncset.done $0x0  }
0x51: {  	s20 =	rddreg [dreg:$0x12];
	[sflag:s1] =	ssyncadd.s32 $0xFFFFD580  }
0x52: {  	[spmem:s20] =	stream.linear.scatter [tilespmem:s31], [sflag:$0xA], $0x2A80, $0x38;
	[tilespmem:$0x1CD68] =	vst v63  }
0x53: {  	_ =	swait.ge [sflag:s1], $0x2A80  }
0x54: {  	[sflag:s1] =	ssyncset.done $0x0  }
0x55: {  	s21 =	rddreg [dreg:$0x13];
	[sflag:s1] =	ssyncadd.s32 $0xFFFFD580  }
0x56: {  	[spmem:s21] =	stream.linear.scatter [tilespmem:s31], [sflag:$0xA], $0x2A80, $0x38;
	[tilespmem:$0x1CD68] =	vst v63  }
0x57: {  	_ =	swait.ge [sflag:s1], $0x2A80  }
0x58: {  	[sflag:s1] =	ssyncset.done $0x0  }
0x59: {  	s22 =	rddreg [dreg:$0xa];
	[sflag:s1] =	ssyncadd.s32 $0xFFFFD580  }
0x5a: {  	[spmem:s22] =	stream.linear.scatter [tilespmem:s31], [sflag:$0xA], $0x2200, $0x38;
	[tilespmem:$0x1CD68] =	vst v63  }
0x5b: {  	_ =	swait.ge [sflag:s1], $0x2200  }
0x5c: {  	[sflag:s1] =	ssyncset.done $0x0  }
0x5d: {  	s18 =	simm.s32 @!p0 $0x1E0;
	[sflag:s1] =	ssyncadd.s32 $0xFFFFDE00  }
0x5e: {  	[spmem:s13] =	stream.linear.scatter @!p0 [tilespmem:s18], [sflag:$0xA], $0x880, $0x38;
	[tilespmem:$0x1CD68] =	vst v63  }
0x5f: {  	s18 =	simm.s32 @!p0 $0xA  }
0x60: {  	_ =	swait.ge @!p0 [sflag:s18], $0x880  }
0x61: {  	[sflag:s18] =	ssyncset.done @!p0 $0x0  }
0x62: {  	[sflag:s18] =	ssyncadd.s32 @!p0 $0xFFFFF780  }
0x63: {  	[bflag:$0x0] =	sbarrier.arrive $0xFFFF  }
0x64: {  	_ =	swait.ge [sflag:s0], $0x50  }
0x65: {  	[sflag:s0] =	ssyncset.done $0x0  }
0x66: {  	s19 =	simm.s32 $0x0;
	[sflag:s0] =	ssyncadd.s32 $0xFFFFFFB0  }
0x67: {  	[tilespmem:s31], [sflag:$0x1] =	stream.indirect.gather [hbm4b:s4+s26], $0x88, s19, s26, $0xb8;
	[tilespmem:$0x1CD68] =	vst v63  }
0x68: {  	_ =	swait.ge [sflag:s6], $0x50  }
0x69: {  	[sflag:s6] =	ssyncset.done $0x0  }
0x6a: {  	[sflag:s6] =	ssyncadd.s32 $0xFFFFFFB0  }
0x6b: {  	[tilespmem:s7], [sflag:$0x2] =	stream.indirect.gather [hbm4b:s4+s26], $0x88, s26, s26, $0xb8;
	[tilespmem:$0x1CD68] =	vst v63  }
0x6c: {  	_ =	swait.ge [sflag:s8], $0x2A80  }
0x6d: {  	[sflag:s8] =	ssyncset.done $0x0  }
0x6e: {  	[sflag:s8] =	ssyncadd.s32 $0xFFFFD580  }
0x6f: {  	_ =	swait.ge [sflag:s9], $0x50  }
0x70: {  	[sflag:s9] =	ssyncset.done $0x0  }
0x71: {  	[sflag:s9] =	ssyncadd.s32 $0xFFFFFFB0  }
0x72: {  	[spmem:s2] =	stream.indirect.scatter.add.f32 [tilespmem:s31], [sflag:$0xA], $0x88, s24, s26, $0xb8;
	[tilespmem:$0x1CD68] =	vst v63  }
0x73: {  	_ =	swait.ge [sflag:s1], $0x2A80  }
0x74: {  	s20 =	sadd.s32 $0x0, s23;
	[sflag:s1] =	ssyncset.done $0x0  }
0x75: {  	s19 =	sadd.s32 $0x1E, s20;
	[sflag:s1] =	ssyncadd.s32 $0xFFFFD580  }
0x76: {  	[tilespmem:s3], [sflag:$0x4] =	stream.linear.gather [hbm4b:s19+s3], $0x50, $0x38;
	[tilespmem:$0x1CD68] =	vst v63  }
0x77: {  	s21 =	sadd.s32 $0x9C5E, s20  }
0x78: {  	[tilespmem:s24], [sflag:$0x7] =	stream.linear.gather [hbm4b:s21+s3], $0x50, $0x38;
	[tilespmem:$0x1CD68] =	vst v63  }
0x79: {  	_ =	swait.ge [sflag:s5], $0x50  }
0x7a: {  	[sflag:s5] =	ssyncset.done $0x0  }
0x7b: {  	[sflag:s5] =	ssyncadd.s32 $0xFFFFFFB0  }
0x7c: {  	[tilespmem:s11], [sflag:$0x3] =	stream.indirect.gather [hbm4b:s4+s26], $0x88, s29, s26, $0xb8;
	[tilespmem:$0x1CD68] =	vst v63  }
0x7d: {  	_ =	swait.ge [sflag:s12], $0x2A80  }
0x7e: {  	[sflag:s12] =	ssyncset.done $0x0  }
0x7f: {  	[sflag:s12] =	ssyncadd.s32 $0xFFFFD580  }
0x80: {  	_ =	swait.ge [sflag:s14], $0x50  }
0x81: {  	[sflag:s14] =	ssyncset.done $0x0  }
0x82: {  	[sflag:s14] =	ssyncadd.s32 $0xFFFFFFB0  }
0x83: {  	[spmem:s2] =	stream.indirect.scatter.add.f32 [tilespmem:s7], [sflag:$0xA], $0x88, s28, s26, $0xb8;
	[tilespmem:$0x1CD68] =	vst v63  }
0x84: {  	_ =	swait.ge [sflag:s1], $0x2A80  }
0x85: {  	[sflag:s1] =	ssyncset.done $0x0  }
0x86: {  	s22 =	sadd.s32 $0x28, s20;
	[sflag:s1] =	ssyncadd.s32 $0xFFFFD580  }
0x87: {  	[tilespmem:s26], [sflag:$0x5] =	stream.linear.gather [hbm4b:s22+s3], $0x50, $0x38;
	[tilespmem:$0x1CD68] =	vst v63  }
0x88: {  	s18 =	sadd.s32 $0x9C68, s20  }
0x89: {  	[tilespmem:s28], [sflag:$0x8] =	stream.linear.gather [hbm4b:s18+s3], $0x50, $0x38;
	[tilespmem:$0x1CD68] =	vst v63  }
0x8a: {  	_ =	swait.ge [sflag:s0], $0x50  }
0x8b: {  	[sflag:s0] =	ssyncset.done $0x0  }
0x8c: {  	[sflag:s0] =	ssyncadd.s32 $0xFFFFFFB0  }
0x8d: {  	[tilespmem:s31], [sflag:$0x1] =	stream.indirect.gather [hbm4b:s4+s26], $0x88, s3, s26, $0xb8;
	[tilespmem:$0x1CD68] =	vst v63  }
0x8e: {  	_ =	swait.ge [sflag:s15], $0x2A80  }
0x8f: {  	[sflag:s15] =	ssyncset.done $0x0  }
0x90: {  	[sflag:s15] =	ssyncadd.s32 $0xFFFFD580  }
0x91: {  	_ =	swait.ge [sflag:s16], $0x50  }
0x92: {  	[sflag:s16] =	ssyncset.done $0x0  }
0x93: {  	[sflag:s16] =	ssyncadd.s32 $0xFFFFFFB0  }
0x94: {  	[spmem:s2] =	stream.indirect.scatter.add.f32 [tilespmem:s11], [sflag:$0xA], $0x88, s30, s26, $0xb8;
	[tilespmem:$0x1CD68] =	vst v63  }
0x95: {  	p1 =	por $0x0, $0x0;
	_ =	swait.ge [sflag:s1], $0x2A80  }
0x96: {  	s19 =	simm.s32 @!p1 $0xA0;
	s18 =	sadd.s32 @!p1 $0x0, s23;
	[sflag:s1] =	ssyncset.done $0x0  }
0x97: {  	s21 =	simm.s32 @!p1 $0x0;
	s20 =	sadd.s32 @!p1 $0x32, s18;
	[sflag:s1] =	ssyncadd.s32 $0xFFFFD580  }
0x98: {  	[tilespmem:s19], [sflag:$0x6] =	stream.linear.gather @!p1 [hbm4b:s20+s21], $0x50, $0x38;
	[tilespmem:$0x1CD68] =	vst v63  }
0x99: {  	s18 =	sadd.s32 @!p1 $0x9C72, s18;
	s19 =	simm.s32 @!p1 $0x190  }
0x9a: {  	[tilespmem:s19], [sflag:$0x9] =	stream.linear.gather @!p1 [hbm4b:s18+s21], $0x50, $0x38;
	[tilespmem:$0x1CD68] =	vst v63  }
0x9b: {  	_ =	swait.ge [sflag:s6], $0x50  }
0x9c: {  	[sflag:s6] =	ssyncset.done $0x0  }
0x9d: {  	s18 =	simm.s32 $0x1E;
	[sflag:s6] =	ssyncadd.s32 $0xFFFFFFB0  }
.LBB2_4:
0x9e: {  	[tilespmem:s7], [sflag:$0x2] =	stream.indirect.gather [hbm4b:s4+s26], $0x88, s26, s26, $0xb8;
	[tilespmem:$0x1CD68] =	vst v63  }
0x9f: {  	s19 =	smov.u32 s18;
	s18 =	sadd.s32 $0x1E, s18;
	_ =	swait.ge [sflag:s8], $0x2A80  }
0xa0: {  	p1 =	sne.s32 s18, $0x4CE;
	[sflag:s8] =	ssyncset.done $0x0  }
0xa1: {  	[sflag:s8] =	ssyncadd.s32 $0xFFFFD580  }
0xa2: {  	_ =	swait.ge [sflag:s9], $0x50  }
0xa3: {  	[sflag:s9] =	ssyncset.done $0x0  }
0xa4: {  	[sflag:s9] =	ssyncadd.s32 $0xFFFFFFB0  }
0xa5: {  	[spmem:s2] =	stream.indirect.scatter.add.f32 [tilespmem:s31], [sflag:$0xA], $0x88, s24, s26, $0xb8;
	[tilespmem:$0x1CD68] =	vst v63  }
0xa6: {  	_ =	swait.ge [sflag:s1], $0x2A80  }
0xa7: {  	s20 =	sadd.s32 s19, s23;
	[sflag:s1] =	ssyncset.done $0x0  }
0xa8: {  	s21 =	sadd.s32 $0x1E, s20;
	[sflag:s1] =	ssyncadd.s32 $0xFFFFD580  }
0xa9: {  	[tilespmem:s3], [sflag:$0x4] =	stream.linear.gather [hbm4b:s21+s3], $0x50, $0x38;
	[tilespmem:$0x1CD68] =	vst v63  }
0xaa: {  	s21 =	sadd.s32 $0x9C5E, s20  }
0xab: {  	[tilespmem:s24], [sflag:$0x7] =	stream.linear.gather [hbm4b:s21+s3], $0x50, $0x38;
	[tilespmem:$0x1CD68] =	vst v63  }
0xac: {  	_ =	swait.ge [sflag:s5], $0x50  }
0xad: {  	[sflag:s5] =	ssyncset.done $0x0  }
0xae: {  	[sflag:s5] =	ssyncadd.s32 $0xFFFFFFB0  }
0xaf: {  	[tilespmem:s11], [sflag:$0x3] =	stream.indirect.gather [hbm4b:s4+s26], $0x88, s29, s26, $0xb8;
	[tilespmem:$0x1CD68] =	vst v63  }
0xb0: {  	_ =	swait.ge [sflag:s12], $0x2A80  }
0xb1: {  	[sflag:s12] =	ssyncset.done $0x0  }
0xb2: {  	[sflag:s12] =	ssyncadd.s32 $0xFFFFD580  }
0xb3: {  	_ =	swait.ge [sflag:s14], $0x50  }
0xb4: {  	[sflag:s14] =	ssyncset.done $0x0  }
0xb5: {  	[sflag:s14] =	ssyncadd.s32 $0xFFFFFFB0  }
0xb6: {  	[spmem:s2] =	stream.indirect.scatter.add.f32 [tilespmem:s7], [sflag:$0xA], $0x88, s28, s26, $0xb8;
	[tilespmem:$0x1CD68] =	vst v63  }
0xb7: {  	_ =	swait.ge [sflag:s1], $0x2A80  }
0xb8: {  	[sflag:s1] =	ssyncset.done $0x0  }
0xb9: {  	s21 =	sadd.s32 $0x28, s20;
	[sflag:s1] =	ssyncadd.s32 $0xFFFFD580  }
0xba: {  	[tilespmem:s26], [sflag:$0x5] =	stream.linear.gather [hbm4b:s21+s3], $0x50, $0x38;
	[tilespmem:$0x1CD68] =	vst v63  }
0xbb: {  	s20 =	sadd.s32 $0x9C68, s20  }
0xbc: {  	[tilespmem:s28], [sflag:$0x8] =	stream.linear.gather [hbm4b:s20+s3], $0x50, $0x38;
	[tilespmem:$0x1CD68] =	vst v63  }
0xbd: {  	_ =	swait.ge [sflag:s0], $0x50  }
0xbe: {  	[sflag:s0] =	ssyncset.done $0x0  }
0xbf: {  	[sflag:s0] =	ssyncadd.s32 $0xFFFFFFB0  }
0xc0: {  	[tilespmem:s31], [sflag:$0x1] =	stream.indirect.gather [hbm4b:s4+s26], $0x88, s3, s26, $0xb8;
	[tilespmem:$0x1CD68] =	vst v63  }
0xc1: {  	_ =	swait.ge [sflag:s15], $0x2A80  }
0xc2: {  	[sflag:s15] =	ssyncset.done $0x0  }
0xc3: {  	[sflag:s15] =	ssyncadd.s32 $0xFFFFD580  }
0xc4: {  	_ =	swait.ge [sflag:s16], $0x50  }
0xc5: {  	[sflag:s16] =	ssyncset.done $0x0  }
0xc6: {  	[sflag:s16] =	ssyncadd.s32 $0xFFFFFFB0  }
0xc7: {  	[spmem:s2] =	stream.indirect.scatter.add.f32 [tilespmem:s11], [sflag:$0xA], $0x88, s30, s26, $0xb8;
	[tilespmem:$0x1CD68] =	vst v63  }
0xc8: {  	p2 =	seq.s32 s19, $0x4B0;
	_ =	swait.ge [sflag:s1], $0x2A80  }
0xc9: {  	s19 =	sadd.s32 @!p2 s19, s23;
	s20 =	simm.s32 @!p2 $0xA0;
	[sflag:s1] =	ssyncset.done $0x0  }
0xca: {  	s22 =	simm.s32 @!p2 $0x0;
	s21 =	sadd.s32 @!p2 $0x32, s19;
	[sflag:s1] =	ssyncadd.s32 $0xFFFFD580  }
0xcb: {  	[tilespmem:s20], [sflag:$0x6] =	stream.linear.gather @!p2 [hbm4b:s21+s22], $0x50, $0x38;
	[tilespmem:$0x1CD68] =	vst v63  }
.Ltmp1:
0xcc: {  	s19 =	sadd.s32 @!p2 $0x9C72, s19;
	s20 =	simm.s32 @!p2 $0x190;
	(pc) =	sbr.rel @p1 .LBB2_4-.Ltmp1, $4  }
0xcd: {  	[tilespmem:s20], [sflag:$0x9] =	stream.linear.gather @!p2 [hbm4b:s19+s22], $0x50, $0x38;
	[tilespmem:$0x1CD68] =	vst v63  }
0xce: {  	_ =	swait.ge [sflag:s6], $0x50  }
0xcf: {  	[sflag:s6] =	ssyncset.done $0x0  }
0xd0: {  	[sflag:s6] =	ssyncadd.s32 $0xFFFFFFB0  }
0xd1: {  	[tilespmem:s7], [sflag:$0x2] =	stream.indirect.gather [hbm4b:s4+s26], $0x88, s26, s26, $0xb8;
	[tilespmem:$0x1CD68] =	vst v63  }
0xd2: {  	_ =	swait.ge [sflag:s8], $0x2A80  }
0xd3: {  	[sflag:s8] =	ssyncset.done $0x0  }
0xd4: {  	[sflag:s8] =	ssyncadd.s32 $0xFFFFD580  }
0xd5: {  	_ =	swait.ge [sflag:s9], $0x50  }
0xd6: {  	[sflag:s9] =	ssyncset.done $0x0  }
0xd7: {  	[sflag:s9] =	ssyncadd.s32 $0xFFFFFFB0  }
0xd8: {  	[spmem:s2] =	stream.indirect.scatter.add.f32 [tilespmem:s31], [sflag:$0xA], $0x88, s24, s26, $0xb8;
	[tilespmem:$0x1CD68] =	vst v63  }
0xd9: {  	_ =	swait.ge [sflag:s1], $0x2A80  }
0xda: {  	[sflag:s1] =	ssyncset.done $0x0  }
0xdb: {  	[sflag:s1] =	ssyncadd.s32 $0xFFFFD580  }
0xdc: {  	_ =	swait.ge [sflag:s12], $0x2A80  }
0xdd: {  	[sflag:s12] =	ssyncset.done $0x0  }
0xde: {  	[sflag:s12] =	ssyncadd.s32 $0xFFFFD580  }
0xdf: {  	_ =	swait.ge [sflag:s14], $0x50  }
0xe0: {  	[sflag:s14] =	ssyncset.done $0x0  }
0xe1: {  	[sflag:s14] =	ssyncadd.s32 $0xFFFFFFB0  }
0xe2: {  	[spmem:s2] =	stream.indirect.scatter.add.f32 [tilespmem:s7], [sflag:$0xA], $0x88, s28, s26, $0xb8;
	[tilespmem:$0x1CD68] =	vst v63  }
0xe3: {  	_ =	swait.ge [sflag:s1], $0x2A80  }
0xe4: {  	[sflag:s1] =	ssyncset.done $0x0  }
0xe5: {  	s18 =	stileid.u32;
	[sflag:s1] =	ssyncadd.s32 $0xFFFFD580  }
0xe6: {  	s18 =	sshll.u32 s18, $0x6;
	[bflag:$0x0] =	sbarrier.arrive $0xFFFF  }
0xe7: {  	s18 =	sor.u32 $0x1C0A, s18;
	s19 =	rddreg [dreg:$0xb]  }
0xe8: {  	[hbm:s19], [sflag:s18] =	dma.local [spmem:s25], $0x2970  }
0xe9: {  	_ =	swait.ge [sflag:s1], $0x2970  }
0xea: {  	[sflag:s1] =	ssyncset.done $0x0  }
0xeb: {  	s19 =	sshrl.u32 @!p0 s13, $0x3;
	s20 =	rddreg [dreg:$0xc];
	[sflag:s1] =	ssyncadd.s32 $0xFFFFD690  }
0xec: {  	[hbm:s20], [sflag:s18] =	dma.local @!p0 [spmem:s19], $0x110  }
0xed: {  	s18 =	simm.s32 @!p0 $0xA  }
0xee: {  	_ =	swait.ge @!p0 [sflag:s18], $0x110  }
0xef: {  	s17 =	sadd.s32 $0x1, s17;
	s22 =	rddreg [dreg:$0xd]  }
0xf0: {  	p1 =	sne.s32 s17, s22  }
.Ltmp2:
0xf1: {  	_ = 	snop;
	(pc) =	sbr.rel @p1 .LBB2_1-.Ltmp2, $3  }
0xf2: {  	_ =	sdelay $0x1  }
0xf3: {  	[sflag:s18] =	ssyncset.done @!p0 $0x0  }
0xf4: {  	[sflag:s18] =	ssyncadd.s32 @!p0 $0xFFFFFEF0  }
0xf5: {  	_ =	sfence.sel $0x180000  }
0xf6: {  	[bflag:$0x0] =	sbarrier.arrive $0xFFFF  }
0xf7: {  	_ =	strace $0x90000047  }
0xf8: {  	s0 =	stileid.u32;
	[bflag:$0x2] =	sbarrier.arrive $0xFFFF  }
0xf9: {  	p0 =	sne.s32 s0, $0x0;
	s0 =	rddreg [dreg:$0x3]  }
0xfa: {  	s0 =	sadd.s32 @!p0 $0x100000, s0  }
0xfb: {  	[sflag:s0] =	ssyncadd.tile.s32 @!p0 $0x1;
	_ =	shalt  }
.Lfunc_end2:
_tile_overlayer_lowered:
.L_overlay_start_2:
0xfc: {  	(tag) =	ssettag $0x2  }
0xfd: {  	s0 =	rddreg [dreg:$0x0];
	s2 =	stileid.u32  }
0xfe: {  	s1 =	rddreg [dreg:$0x1];
	p0 =	sne.s32 s2, $0x0  }
0xff: {  	s3 =	rddreg [dreg:$0x2];
	[bflag:$0x3] =	sbarrier.arrive $0xFFFF;
	s2 =	simm.s32 @!p0 $0x1C0A  }
0x100: {  	[timem:s3], [sflag:s2] =	dma.local @!p0 [hbm:s0], s1  }
0x101: {  	s0 =	simm.s32 @!p0 $0xA  }
0x102: {  	_ =	swait.ge @!p0 [sflag:s0], s1  }
0x103: {  	s1 =	ssub.s32 @!p0 $0x0, s1;
	[sflag:s0] =	ssyncset.done @!p0 $0x0  }
0x104: {  	[sflag:s0] =	ssyncadd.s32 @!p0 s1  }
0x105: {  	[bflag:$0x3] =	sbarrier.arrive $0xFFFF  }
0x106: {  	_ =	shalt  }

</sc_bundles>
